<compile_context>
chip_gen: v7x
topology: tpu7x:2x2x1
jax: 0.10.2.dev20260603
libtpu: 0.0.44.dev20260713+nightly
codegen_flags: <defaults>
</compile_context>

<pallas_src>
import functools

import jax
import jax.numpy as jnp
from jax import lax
from jax.experimental import pallas as pl
from jax.experimental.pallas import tpu as pltpu
from jax.experimental.pallas import tpu_sc as plsc

T = 32
N = 512
M = 2048
TOPK_TIME = 8
KNN = 16
N_TILE = 128
M_TILE = 1024


_SORT8_NET = [(0, 1), (2, 3), (4, 5), (6, 7),
              (0, 2), (1, 3), (4, 6), (5, 7),
              (1, 2), (5, 6), (0, 4), (3, 7),
              (1, 5), (2, 6),
              (1, 4), (3, 6),
              (2, 4), (3, 5),
              (3, 4)]

_BITONIC8_NET = [(0, 4), (1, 5), (2, 6), (3, 7),
                 (0, 2), (1, 3), (4, 6), (5, 7),
                 (0, 1), (2, 3), (4, 5), (6, 7)]


def _apply_net(vs, net):
    vs = list(vs)
    for i, j in net:
        hi = jnp.maximum(vs[i], vs[j])
        lo = jnp.minimum(vs[i], vs[j])
        vs[i], vs[j] = hi, lo
    return vs


def _dist_kernel(q_ref, b_ref, dist_ref):
    q = q_ref[...]
    b = b_ref[...]
    run = None
    n_groups = T // TOPK_TIME
    for g in range(n_groups):
        d2s = []
        for tt in range(TOPK_TIME):
            t = g * TOPK_TIME + tt
            qt = q[:, t, :]
            bt = b[t]
            q2 = 0.25 * jnp.sum(qt * qt, axis=1, keepdims=True)
            b2 = jnp.sum(bt * bt, axis=0, keepdims=True)
            cross = jax.lax.dot_general(
                qt, bt, (((1,), (0,)), ((), ())),
                preferred_element_type=jnp.float32)
            d2s.append((q2 + b2) + cross)
        s = _apply_net(d2s, _SORT8_NET)
        if run is None:
            run = s
        elif g < n_groups - 1:
            tops = [jnp.maximum(run[i], s[TOPK_TIME - 1 - i])
                    for i in range(TOPK_TIME)]
            run = _apply_net(tops, _BITONIC8_NET)
        else:
            tops = [jnp.maximum(run[i], s[TOPK_TIME - 1 - i])
                    for i in range(TOPK_TIME)]
            d2_sel = tops[0]
            for i in range(1, TOPK_TIME):
                d2_sel = jnp.minimum(d2_sel, tops[i])
    dist_ref[...] = jnp.sqrt(jnp.clip(d2_sel, 0.0, None) + 1e-12)


_SC_CORES = 2
_SC_WORKERS = 32
_ROWS_PER_W = N // _SC_WORKERS


_SC_LANES = 4


def _sc_body(dist_hbm, out_hbm, rows_v, vals_v, sem):
    wid = lax.axis_index("s") * _SC_CORES + lax.axis_index("c")
    base = wid * _ROWS_PER_W

    pltpu.sync_copy(dist_hbm.at[pl.ds(base, _ROWS_PER_W)], rows_v)

    inf16 = jnp.full((16,), jnp.inf, dtype=jnp.float32)
    for rb in range(_ROWS_PER_W // _SC_LANES):

        def chunk(i, runs):
            out = []
            for j in range(_SC_LANES):
                c = rows_v[rb * _SC_LANES + j, pl.ds(i * 16, 16)]
                c, _ = plsc.sort_key_val(c, c, descending=True)
                out.append(lax.sort(jnp.minimum(runs[j], c), dimension=0))
            return tuple(out)

        runs = lax.fori_loop(0, M // 16, chunk, (inf16,) * _SC_LANES)
        for j in range(_SC_LANES):
            vals_v[rb * _SC_LANES + j, :] = runs[j]

    pltpu.sync_copy(vals_v, out_hbm.at[pl.ds(base, _ROWS_PER_W)])


@functools.cache
def _sc_knn_vals():
    return pl.kernel(
        _sc_body,
        out_type=jax.ShapeDtypeStruct((N, KNN), jnp.float32),
        mesh=plsc.VectorSubcoreMesh(core_axis_name="c", subcore_axis_name="s"),
        compiler_params=pltpu.CompilerParams(needs_layout_passes=False),
        scratch_types=[
            pltpu.VMEM((_ROWS_PER_W, M), jnp.float32),
            pltpu.VMEM((_ROWS_PER_W, KNN), jnp.float32),
            pltpu.SemaphoreType.DMA,
        ],
    )


def _ind_kernel(dist_ref, vals_ref, knn_dist_ref, knn_ind_ref):
    work = dist_ref[...]
    vals = vals_ref[...]
    iota = jax.lax.broadcasted_iota(jnp.int32, (N_TILE, M), 1)
    big_i = jnp.int32(M)
    pos_inf = jnp.float32(jnp.inf)
    knn_dist_ref[...] = vals
    for k in range(KNN):
        v = vals[:, k:k + 1]
        idx = jnp.min(jnp.where(work == v, iota, big_i), axis=1,
                      keepdims=True)
        knn_ind_ref[:, k] = idx[:, 0]
        work = jnp.where(iota == idx, pos_inf, work)


@jax.jit
def kernel(q_curve_xyz, b_curve_xyz):
    q_r = -2.0 * jnp.transpose(q_curve_xyz, (1, 0, 2))
    b_r = jnp.transpose(b_curve_xyz, (0, 2, 1))

    dist = pl.pallas_call(
        _dist_kernel,
        grid=(N // N_TILE, M // M_TILE),
        in_specs=[
            pl.BlockSpec((N_TILE, T, 3), lambda i, j: (i, 0, 0)),
            pl.BlockSpec((T, 3, M_TILE), lambda i, j: (0, 0, j)),
        ],
        out_specs=pl.BlockSpec((N_TILE, M_TILE), lambda i, j: (i, j)),
        out_shape=jax.ShapeDtypeStruct((N, M), jnp.float32),
    )(q_r, b_r)

    sc_vals = _sc_knn_vals()(dist)

    knn_dist, knn_ind = pl.pallas_call(
        _ind_kernel,
        grid=(N // N_TILE,),
        in_specs=[
            pl.BlockSpec((N_TILE, M), lambda i: (i, 0)),
            pl.BlockSpec((N_TILE, KNN), lambda i: (i, 0)),
        ],
        out_specs=[
            pl.BlockSpec((N_TILE, KNN), lambda i: (i, 0)),
            pl.BlockSpec((N_TILE, KNN), lambda i: (i, 0)),
        ],
        out_shape=[
            jax.ShapeDtypeStruct((N, KNN), jnp.float32),
            jax.ShapeDtypeStruct((N, KNN), jnp.int32),
        ],
    )(dist, sc_vals)
    return (knn_dist, knn_ind)

# --- scband reference (transcript-rebuilt; emitter-appended) ---
"""Pipeline reference for scband-mo-sca-30150670418681 (READ-ONLY COPY).

The authoritative reference and input builder live on the scoring server;
editing this copy changes nothing except your own understanding.
"""

import jax, jax.numpy as jnp
import numpy as np

TOP_K = 8
KNN_K = 16


def setup_inputs(seed: int = 0) -> dict:
    key = jax.random.key(seed)
    k1, k2 = jax.random.split(key)
    q_curve_xyz = jax.random.normal(k1, (32, 512, 3), dtype=jnp.float32)
    b_curve_xyz = jax.random.normal(k2, (32, 2048, 3), dtype=jnp.float32)
    return {"q_curve_xyz": q_curve_xyz, "b_curve_xyz": b_curve_xyz}


def _robust_curve_dist(q, b, top_k):
    # q: [T, N, 3] query curves, b: [T, M, 3] base curves
    # Faithful to robust_curve_dist_kernel with all-ones visibility masks:
    # per-pair per-frame euclidean distance, take top_k largest over time,
    # then select the (ceil(top_k * m_cnt / T) - 1)-th largest (robust quantile).
    T, N, _ = q.shape
    M = b.shape[1]
    q2 = jnp.sum(q * q, axis=-1)  # [T, N]
    b2 = jnp.sum(b * b, axis=-1)  # [T, M]
    cross = jnp.einsum('tnd,tmd->tnm', q, b)  # [T, N, M]
    d2 = q2[:, :, None] + b2[:, None, :] - 2.0 * cross
    d = jnp.sqrt(jnp.clip(d2, 0.0, None) + 1e-12)  # [T, N, M]
    # masks are all ones -> _m = ones, _d unchanged, m_cnt = T
    m_cnt = jnp.full((N, M), T, dtype=jnp.float32)
    sel = jnp.ceil(top_k * m_cnt / T).astype(jnp.int32) - 1
    sel = jnp.clip(sel, 0, top_k - 1)  # [N, M]
    d_t_last = jnp.moveaxis(d, 0, -1)  # [N, M, T]
    top_k_value, _ = jax.lax.top_k(d_t_last, top_k)  # [N, M, top_k] largest over time
    dist = jnp.take_along_axis(top_k_value, sel[..., None], axis=-1)[..., 0]  # [N, M]
    return dist


def reference(q_curve_xyz, b_curve_xyz):
    # __query_distance_to_curve__ (full dist matrix) followed by
    # __compute_topo_ind_from_dist__ (K smallest neighbors per query curve)
    dist = _robust_curve_dist(q_curve_xyz, b_curve_xyz, TOP_K)
    neg_knn_dist, knn_ind = jax.lax.top_k(-dist, KNN_K)
    knn_dist = -neg_knn_dist
    return (knn_dist, knn_ind)

if __name__ == "__main__":
    import jax
    _d = setup_inputs()
    print(jax.jit(kernel)(*tuple(_d.values())))

</pallas_src>

<mosaic_0001>
#map = affine_map<(d0, d1) -> (0, 0)>
module attributes {stable_mosaic.version = 14 : i64} {
  func.func @_sc_body(%arg0: i32, %arg1: i32, %arg2: memref<512x2048xf32, #tpu.memory_space<hbm>>, %arg3: memref<512x16xf32, #tpu.memory_space<hbm>>, %arg4: memref<16x2048xf32, #tpu.memory_space<vmem>>, %arg5: memref<16x16xf32, #tpu.memory_space<vmem>>, %arg6: memref<!tpu.dma_semaphore, #tpu.memory_space<semaphore_mem>>) attributes {dimension_semantics = [#tpu.dimension_semantics<core_parallel>, #tpu.dimension_semantics<subcore_parallel>], iteration_bounds = array<i64: 2, 16>, scalar_prefetch = 0 : i64, scratch_operands = 3 : i64, tpu.core_type = #tpu.core_type<sc_vector_subcore>, window_params = [{transform_indices = #map}, {transform_indices = #map}]} {
    %mul3A = arith.constant 2 : i32
    %mul3A_0 = arith.muli %arg1, %mul3A : i32
    %add3A = arith.addi %mul3A_0, %arg0 : i32
    %mul3A_1 = arith.constant 16 : i32
    %mul3A_2 = arith.muli %add3A, %mul3A_1 : i32
    "tpu.region"() ({
      %run_scoped3A = tpu.sem_alloc : memref<!tpu.dma_semaphore, #tpu.memory_space<semaphore_mem>>
      %dma_start3A = arith.constant 0 : i32
      %dma_start3A_90 = tpu.memref_slice %arg2[%mul3A_2, %dma_start3A] : memref<512x2048xf32, #tpu.memory_space<hbm>> -> memref<16x2048xf32, #tpu.memory_space<hbm>>
      %dma_start3A_91 = arith.constant 0 : i32
      %dma_start3A_92 = tpu.memref_slice %arg2[%mul3A_2, %dma_start3A_91] : memref<512x2048xf32, #tpu.memory_space<hbm>> -> memref<16x2048xf32, #tpu.memory_space<hbm>>
      tpu.enqueue_dma source(%dma_start3A_92 : memref<16x2048xf32, #tpu.memory_space<hbm>>) target(%arg4 : memref<16x2048xf32, #tpu.memory_space<vmem>>) target_semaphore(%run_scoped3A : memref<!tpu.dma_semaphore, #tpu.memory_space<semaphore_mem>>)
      %dma_wait3A = arith.constant 0 : i32
      %dma_wait3A_93 = tpu.memref_slice %arg2[%mul3A_2, %dma_wait3A] : memref<512x2048xf32, #tpu.memory_space<hbm>> -> memref<16x2048xf32, #tpu.memory_space<hbm>>
      %dma_wait3A_94 = arith.constant 0 : i32
      %dma_wait3A_95 = tpu.memref_slice %arg2[%mul3A_2, %dma_wait3A_94] : memref<512x2048xf32, #tpu.memory_space<hbm>> -> memref<16x2048xf32, #tpu.memory_space<hbm>>
      tpu.wait_dma2 semaphore(%run_scoped3A : memref<!tpu.dma_semaphore, #tpu.memory_space<semaphore_mem>>) src(%dma_wait3A_95 : memref<16x2048xf32, #tpu.memory_space<hbm>>) dst(%arg4 : memref<16x2048xf32, #tpu.memory_space<vmem>>)
      tpu.yield
    }) : () -> ()
    %broadcast_in_dim3A = arith.constant 0x7F800000 : f32
    %broadcast_in_dim3A_3 = vector.broadcast %broadcast_in_dim3A : f32 to vector<16xf32>
    %scan3A = arith.constant 0 : i32
    %scan3A_4 = arith.constant 128 : i32
    %scan3A_5 = arith.addi %scan3A, %scan3A_4 : i32
    %scan3A_6 = arith.constant 1 : i32
    %scan3A_7:4 = scf.for %scan3A_90 = %scan3A to %scan3A_5 step %scan3A_6 iter_args(%scan3A_91 = %broadcast_in_dim3A_3, %scan3A_92 = %broadcast_in_dim3A_3, %scan3A_93 = %broadcast_in_dim3A_3, %scan3A_94 = %broadcast_in_dim3A_3) -> (vector<16xf32>, vector<16xf32>, vector<16xf32>, vector<16xf32>)  : i32 {
      %mul3A_95 = arith.constant 16 : i32
      %mul3A_96 = arith.muli %scan3A_90, %mul3A_95 : i32
      %get3A = arith.constant 0 : i32
      %get3A_97 = arith.index_cast %get3A : i32 to index
      %get3A_98 = arith.index_cast %mul3A_96 : i32 to index
      %get3A_99 = tpu.vector_load %arg4[%get3A_97, %get3A_98] {strides = array<i32>} : memref<16x2048xf32, #tpu.memory_space<vmem>>, vector<16xf32>,
      %masked_sort3A = arith.constant dense<true> : vector<16xi1>
      %masked_sort3A_100, %masked_sort3A_101, %masked_sort3A_102 = tpu.sort %get3A_99, %get3A_99 masked %masked_sort3A {descending = true} : (vector<16xf32>, vector<16xf32>, vector<16xi1>) -> (vector<16xi1>, vector<16xf32>, vector<16xf32>)
      %min3A = arith.minimumf %scan3A_91, %masked_sort3A_101 : vector<16xf32>
      %sort3A = arith.constant dense<true> : vector<16xi1>
      %sort3A_103, %sort3A_104, %sort3A_105 = tpu.sort %min3A, %min3A masked %sort3A : (vector<16xf32>, vector<16xf32>, vector<16xi1>) -> (vector<16xi1>, vector<16xf32>, vector<16xf32>)
      %mul3A_106 = arith.constant 16 : i32
      %mul3A_107 = arith.muli %scan3A_90, %mul3A_106 : i32
      %get3A_108 = arith.constant 1 : i32
      %get3A_109 = arith.index_cast %get3A_108 : i32 to index
      %get3A_110 = arith.index_cast %mul3A_107 : i32 to index
      %get3A_111 = tpu.vector_load %arg4[%get3A_109, %get3A_110] {strides = array<i32>} : memref<16x2048xf32, #tpu.memory_space<vmem>>, vector<16xf32>,
      %masked_sort3A_112 = arith.constant dense<true> : vector<16xi1>
      %masked_sort3A_113, %masked_sort3A_114, %masked_sort3A_115 = tpu.sort %get3A_111, %get3A_111 masked %masked_sort3A_112 {descending = true} : (vector<16xf32>, vector<16xf32>, vector<16xi1>) -> (vector<16xi1>, vector<16xf32>, vector<16xf32>)
      %min3A_116 = arith.minimumf %scan3A_92, %masked_sort3A_114 : vector<16xf32>
      %sort3A_117 = arith.constant dense<true> : vector<16xi1>
      %sort3A_118, %sort3A_119, %sort3A_120 = tpu.sort %min3A_116, %min3A_116 masked %sort3A_117 : (vector<16xf32>, vector<16xf32>, vector<16xi1>) -> (vector<16xi1>, vector<16xf32>, vector<16xf32>)
      %mul3A_121 = arith.constant 16 : i32
      %mul3A_122 = arith.muli %scan3A_90, %mul3A_121 : i32
      %get3A_123 = arith.constant 2 : i32
      %get3A_124 = arith.index_cast %get3A_123 : i32 to index
      %get3A_125 = arith.index_cast %mul3A_122 : i32 to index
      %get3A_126 = tpu.vector_load %arg4[%get3A_124, %get3A_125] {strides = array<i32>} : memref<16x2048xf32, #tpu.memory_space<vmem>>, vector<16xf32>,
      %masked_sort3A_127 = arith.constant dense<true> : vector<16xi1>
      %masked_sort3A_128, %masked_sort3A_129, %masked_sort3A_130 = tpu.sort %get3A_126, %get3A_126 masked %masked_sort3A_127 {descending = true} : (vector<16xf32>, vector<16xf32>, vector<16xi1>) -> (vector<16xi1>, vector<16xf32>, vector<16xf32>)
      %min3A_131 = arith.minimumf %scan3A_93, %masked_sort3A_129 : vector<16xf32>
      %sort3A_132 = arith.constant dense<true> : vector<16xi1>
      %sort3A_133, %sort3A_134, %sort3A_135 = tpu.sort %min3A_131, %min3A_131 masked %sort3A_132 : (vector<16xf32>, vector<16xf32>, vector<16xi1>) -> (vector<16xi1>, vector<16xf32>, vector<16xf32>)
      %mul3A_136 = arith.constant 16 : i32
      %mul3A_137 = arith.muli %scan3A_90, %mul3A_136 : i32
      %get3A_138 = arith.constant 3 : i32
      %get3A_139 = arith.index_cast %get3A_138 : i32 to index
      %get3A_140 = arith.index_cast %mul3A_137 : i32 to index
      %get3A_141 = tpu.vector_load %arg4[%get3A_139, %get3A_140] {strides = array<i32>} : memref<16x2048xf32, #tpu.memory_space<vmem>>, vector<16xf32>,
      %masked_sort3A_142 = arith.constant dense<true> : vector<16xi1>
      %masked_sort3A_143, %masked_sort3A_144, %masked_sort3A_145 = tpu.sort %get3A_141, %get3A_141 masked %masked_sort3A_142 {descending = true} : (vector<16xf32>, vector<16xf32>, vector<16xi1>) -> (vector<16xi1>, vector<16xf32>, vector<16xf32>)
      %min3A_146 = arith.minimumf %scan3A_94, %masked_sort3A_144 : vector<16xf32>
      %sort3A_147 = arith.constant dense<true> : vector<16xi1>
      %sort3A_148, %sort3A_149, %sort3A_150 = tpu.sort %min3A_146, %min3A_146 masked %sort3A_147 : (vector<16xf32>, vector<16xf32>, vector<16xi1>) -> (vector<16xi1>, vector<16xf32>, vector<16xf32>)
      scf.yield %sort3A_104, %sort3A_119, %sort3A_134, %sort3A_149 : vector<16xf32>, vector<16xf32>, vector<16xf32>, vector<16xf32>
    }
    %scan3A_8 = arith.constant 128 : i32
    %swap3A = arith.constant 0 : i32
    %swap3A_9 = arith.index_cast %swap3A : i32 to index
    %swap3A_10 = arith.constant 0 : index
    %swap3A_11 = tpu.vector_load %arg5[%swap3A_9, %swap3A_10] {strides = array<i32>} : memref<16x16xf32, #tpu.memory_space<vmem>>, vector<16xf32>,
    tpu.vector_store %arg5[%swap3A_9, %swap3A_10], %scan3A_7#0 {strides = array<i32>} : memref<16x16xf32, #tpu.memory_space<vmem>>, vector<16xf32>,
    %swap3A_12 = arith.constant 1 : i32
    %swap3A_13 = arith.index_cast %swap3A_12 : i32 to index
    %swap3A_14 = arith.constant 0 : index
    %swap3A_15 = tpu.vector_load %arg5[%swap3A_13, %swap3A_14] {strides = array<i32>} : memref<16x16xf32, #tpu.memory_space<vmem>>, vector<16xf32>,
    tpu.vector_store %arg5[%swap3A_13, %swap3A_14], %scan3A_7#1 {strides = array<i32>} : memref<16x16xf32, #tpu.memory_space<vmem>>, vector<16xf32>,
    %swap3A_16 = arith.constant 2 : i32
    %swap3A_17 = arith.index_cast %swap3A_16 : i32 to index
    %swap3A_18 = arith.constant 0 : index
    %swap3A_19 = tpu.vector_load %arg5[%swap3A_17, %swap3A_18] {strides = array<i32>} : memref<16x16xf32, #tpu.memory_space<vmem>>, vector<16xf32>,
    tpu.vector_store %arg5[%swap3A_17, %swap3A_18], %scan3A_7#2 {strides = array<i32>} : memref<16x16xf32, #tpu.memory_space<vmem>>, vector<16xf32>,
    %swap3A_20 = arith.constant 3 : i32
    %swap3A_21 = arith.index_cast %swap3A_20 : i32 to index
    %swap3A_22 = arith.constant 0 : index
    %swap3A_23 = tpu.vector_load %arg5[%swap3A_21, %swap3A_22] {strides = array<i32>} : memref<16x16xf32, #tpu.memory_space<vmem>>, vector<16xf32>,
    tpu.vector_store %arg5[%swap3A_21, %swap3A_22], %scan3A_7#3 {strides = array<i32>} : memref<16x16xf32, #tpu.memory_space<vmem>>, vector<16xf32>,
    %scan3A_24 = arith.constant 0 : i32
    %scan3A_25 = arith.constant 128 : i32
    %scan3A_26 = arith.addi %scan3A_24, %scan3A_25 : i32
    %scan3A_27 = arith.constant 1 : i32
    %scan3A_28:4 = scf.for %scan3A_90 = %scan3A_24 to %scan3A_26 step %scan3A_27 iter_args(%scan3A_91 = %broadcast_in_dim3A_3, %scan3A_92 = %broadcast_in_dim3A_3, %scan3A_93 = %broadcast_in_dim3A_3, %scan3A_94 = %broadcast_in_dim3A_3) -> (vector<16xf32>, vector<16xf32>, vector<16xf32>, vector<16xf32>)  : i32 {
      %mul3A_95 = arith.constant 16 : i32
      %mul3A_96 = arith.muli %scan3A_90, %mul3A_95 : i32
      %get3A = arith.constant 4 : i32
      %get3A_97 = arith.index_cast %get3A : i32 to index
      %get3A_98 = arith.index_cast %mul3A_96 : i32 to index
      %get3A_99 = tpu.vector_load %arg4[%get3A_97, %get3A_98] {strides = array<i32>} : memref<16x2048xf32, #tpu.memory_space<vmem>>, vector<16xf32>,
      %masked_sort3A = arith.constant dense<true> : vector<16xi1>
      %masked_sort3A_100, %masked_sort3A_101, %masked_sort3A_102 = tpu.sort %get3A_99, %get3A_99 masked %masked_sort3A {descending = true} : (vector<16xf32>, vector<16xf32>, vector<16xi1>) -> (vector<16xi1>, vector<16xf32>, vector<16xf32>)
      %min3A = arith.minimumf %scan3A_91, %masked_sort3A_101 : vector<16xf32>
      %sort3A = arith.constant dense<true> : vector<16xi1>
      %sort3A_103, %sort3A_104, %sort3A_105 = tpu.sort %min3A, %min3A masked %sort3A : (vector<16xf32>, vector<16xf32>, vector<16xi1>) -> (vector<16xi1>, vector<16xf32>, vector<16xf32>)
      %mul3A_106 = arith.constant 16 : i32
      %mul3A_107 = arith.muli %scan3A_90, %mul3A_106 : i32
      %get3A_108 = arith.constant 5 : i32
      %get3A_109 = arith.index_cast %get3A_108 : i32 to index
      %get3A_110 = arith.index_cast %mul3A_107 : i32 to index
      %get3A_111 = tpu.vector_load %arg4[%get3A_109, %get3A_110] {strides = array<i32>} : memref<16x2048xf32, #tpu.memory_space<vmem>>, vector<16xf32>,
      %masked_sort3A_112 = arith.constant dense<true> : vector<16xi1>
      %masked_sort3A_113, %masked_sort3A_114, %masked_sort3A_115 = tpu.sort %get3A_111, %get3A_111 masked %masked_sort3A_112 {descending = true} : (vector<16xf32>, vector<16xf32>, vector<16xi1>) -> (vector<16xi1>, vector<16xf32>, vector<16xf32>)
      %min3A_116 = arith.minimumf %scan3A_92, %masked_sort3A_114 : vector<16xf32>
      %sort3A_117 = arith.constant dense<true> : vector<16xi1>
      %sort3A_118, %sort3A_119, %sort3A_120 = tpu.sort %min3A_116, %min3A_116 masked %sort3A_117 : (vector<16xf32>, vector<16xf32>, vector<16xi1>) -> (vector<16xi1>, vector<16xf32>, vector<16xf32>)
      %mul3A_121 = arith.constant 16 : i32
      %mul3A_122 = arith.muli %scan3A_90, %mul3A_121 : i32
      %get3A_123 = arith.constant 6 : i32
      %get3A_124 = arith.index_cast %get3A_123 : i32 to index
      %get3A_125 = arith.index_cast %mul3A_122 : i32 to index
      %get3A_126 = tpu.vector_load %arg4[%get3A_124, %get3A_125] {strides = array<i32>} : memref<16x2048xf32, #tpu.memory_space<vmem>>, vector<16xf32>,
      %masked_sort3A_127 = arith.constant dense<true> : vector<16xi1>
      %masked_sort3A_128, %masked_sort3A_129, %masked_sort3A_130 = tpu.sort %get3A_126, %get3A_126 masked %masked_sort3A_127 {descending = true} : (vector<16xf32>, vector<16xf32>, vector<16xi1>) -> (vector<16xi1>, vector<16xf32>, vector<16xf32>)
      %min3A_131 = arith.minimumf %scan3A_93, %masked_sort3A_129 : vector<16xf32>
      %sort3A_132 = arith.constant dense<true> : vector<16xi1>
      %sort3A_133, %sort3A_134, %sort3A_135 = tpu.sort %min3A_131, %min3A_131 masked %sort3A_132 : (vector<16xf32>, vector<16xf32>, vector<16xi1>) -> (vector<16xi1>, vector<16xf32>, vector<16xf32>)
      %mul3A_136 = arith.constant 16 : i32
      %mul3A_137 = arith.muli %scan3A_90, %mul3A_136 : i32
      %get3A_138 = arith.constant 7 : i32
      %get3A_139 = arith.index_cast %get3A_138 : i32 to index
      %get3A_140 = arith.index_cast %mul3A_137 : i32 to index
      %get3A_141 = tpu.vector_load %arg4[%get3A_139, %get3A_140] {strides = array<i32>} : memref<16x2048xf32, #tpu.memory_space<vmem>>, vector<16xf32>,
      %masked_sort3A_142 = arith.constant dense<true> : vector<16xi1>
      %masked_sort3A_143, %masked_sort3A_144, %masked_sort3A_145 = tpu.sort %get3A_141, %get3A_141 masked %masked_sort3A_142 {descending = true} : (vector<16xf32>, vector<16xf32>, vector<16xi1>) -> (vector<16xi1>, vector<16xf32>, vector<16xf32>)
      %min3A_146 = arith.minimumf %scan3A_94, %masked_sort3A_144 : vector<16xf32>
      %sort3A_147 = arith.constant dense<true> : vector<16xi1>
      %sort3A_148, %sort3A_149, %sort3A_150 = tpu.sort %min3A_146, %min3A_146 masked %sort3A_147 : (vector<16xf32>, vector<16xf32>, vector<16xi1>) -> (vector<16xi1>, vector<16xf32>, vector<16xf32>)
      scf.yield %sort3A_104, %sort3A_119, %sort3A_134, %sort3A_149 : vector<16xf32>, vector<16xf32>, vector<16xf32>, vector<16xf32>
    }
    %scan3A_29 = arith.constant 128 : i32
    %swap3A_30 = arith.constant 4 : i32
    %swap3A_31 = arith.index_cast %swap3A_30 : i32 to index
    %swap3A_32 = arith.constant 0 : index
    %swap3A_33 = tpu.vector_load %arg5[%swap3A_31, %swap3A_32] {strides = array<i32>} : memref<16x16xf32, #tpu.memory_space<vmem>>, vector<16xf32>,
    tpu.vector_store %arg5[%swap3A_31, %swap3A_32], %scan3A_28#0 {strides = array<i32>} : memref<16x16xf32, #tpu.memory_space<vmem>>, vector<16xf32>,
    %swap3A_34 = arith.constant 5 : i32
    %swap3A_35 = arith.index_cast %swap3A_34 : i32 to index
    %swap3A_36 = arith.constant 0 : index
    %swap3A_37 = tpu.vector_load %arg5[%swap3A_35, %swap3A_36] {strides = array<i32>} : memref<16x16xf32, #tpu.memory_space<vmem>>, vector<16xf32>,
    tpu.vector_store %arg5[%swap3A_35, %swap3A_36], %scan3A_28#1 {strides = array<i32>} : memref<16x16xf32, #tpu.memory_space<vmem>>, vector<16xf32>,
    %swap3A_38 = arith.constant 6 : i32
    %swap3A_39 = arith.index_cast %swap3A_38 : i32 to index
    %swap3A_40 = arith.constant 0 : index
    %swap3A_41 = tpu.vector_load %arg5[%swap3A_39, %swap3A_40] {strides = array<i32>} : memref<16x16xf32, #tpu.memory_space<vmem>>, vector<16xf32>,
    tpu.vector_store %arg5[%swap3A_39, %swap3A_40], %scan3A_28#2 {strides = array<i32>} : memref<16x16xf32, #tpu.memory_space<vmem>>, vector<16xf32>,
    %swap3A_42 = arith.constant 7 : i32
    %swap3A_43 = arith.index_cast %swap3A_42 : i32 to index
    %swap3A_44 = arith.constant 0 : index
    %swap3A_45 = tpu.vector_load %arg5[%swap3A_43, %swap3A_44] {strides = array<i32>} : memref<16x16xf32, #tpu.memory_space<vmem>>, vector<16xf32>,
    tpu.vector_store %arg5[%swap3A_43, %swap3A_44], %scan3A_28#3 {strides = array<i32>} : memref<16x16xf32, #tpu.memory_space<vmem>>, vector<16xf32>,
    %scan3A_46 = arith.constant 0 : i32
    %scan3A_47 = arith.constant 128 : i32
    %scan3A_48 = arith.addi %scan3A_46, %scan3A_47 : i32
    %scan3A_49 = arith.constant 1 : i32
    %scan3A_50:4 = scf.for %scan3A_90 = %scan3A_46 to %scan3A_48 step %scan3A_49 iter_args(%scan3A_91 = %broadcast_in_dim3A_3, %scan3A_92 = %broadcast_in_dim3A_3, %scan3A_93 = %broadcast_in_dim3A_3, %scan3A_94 = %broadcast_in_dim3A_3) -> (vector<16xf32>, vector<16xf32>, vector<16xf32>, vector<16xf32>)  : i32 {
      %mul3A_95 = arith.constant 16 : i32
      %mul3A_96 = arith.muli %scan3A_90, %mul3A_95 : i32
      %get3A = arith.constant 8 : i32
      %get3A_97 = arith.index_cast %get3A : i32 to index
      %get3A_98 = arith.index_cast %mul3A_96 : i32 to index
      %get3A_99 = tpu.vector_load %arg4[%get3A_97, %get3A_98] {strides = array<i32>} : memref<16x2048xf32, #tpu.memory_space<vmem>>, vector<16xf32>,
      %masked_sort3A = arith.constant dense<true> : vector<16xi1>
      %masked_sort3A_100, %masked_sort3A_101, %masked_sort3A_102 = tpu.sort %get3A_99, %get3A_99 masked %masked_sort3A {descending = true} : (vector<16xf32>, vector<16xf32>, vector<16xi1>) -> (vector<16xi1>, vector<16xf32>, vector<16xf32>)
      %min3A = arith.minimumf %scan3A_91, %masked_sort3A_101 : vector<16xf32>
      %sort3A = arith.constant dense<true> : vector<16xi1>
      %sort3A_103, %sort3A_104, %sort3A_105 = tpu.sort %min3A, %min3A masked %sort3A : (vector<16xf32>, vector<16xf32>, vector<16xi1>) -> (vector<16xi1>, vector<16xf32>, vector<16xf32>)
      %mul3A_106 = arith.constant 16 : i32
      %mul3A_107 = arith.muli %scan3A_90, %mul3A_106 : i32
      %get3A_108 = arith.constant 9 : i32
      %get3A_109 = arith.index_cast %get3A_108 : i32 to index
      %get3A_110 = arith.index_cast %mul3A_107 : i32 to index
      %get3A_111 = tpu.vector_load %arg4[%get3A_109, %get3A_110] {strides = array<i32>} : memref<16x2048xf32, #tpu.memory_space<vmem>>, vector<16xf32>,
      %masked_sort3A_112 = arith.constant dense<true> : vector<16xi1>
      %masked_sort3A_113, %masked_sort3A_114, %masked_sort3A_115 = tpu.sort %get3A_111, %get3A_111 masked %masked_sort3A_112 {descending = true} : (vector<16xf32>, vector<16xf32>, vector<16xi1>) -> (vector<16xi1>, vector<16xf32>, vector<16xf32>)
      %min3A_116 = arith.minimumf %scan3A_92, %masked_sort3A_114 : vector<16xf32>
      %sort3A_117 = arith.constant dense<true> : vector<16xi1>
      %sort3A_118, %sort3A_119, %sort3A_120 = tpu.sort %min3A_116, %min3A_116 masked %sort3A_117 : (vector<16xf32>, vector<16xf32>, vector<16xi1>) -> (vector<16xi1>, vector<16xf32>, vector<16xf32>)
      %mul3A_121 = arith.constant 16 : i32
      %mul3A_122 = arith.muli %scan3A_90, %mul3A_121 : i32
      %get3A_123 = arith.constant 10 : i32
      %get3A_124 = arith.index_cast %get3A_123 : i32 to index
      %get3A_125 = arith.index_cast %mul3A_122 : i32 to index
      %get3A_126 = tpu.vector_load %arg4[%get3A_124, %get3A_125] {strides = array<i32>} : memref<16x2048xf32, #tpu.memory_space<vmem>>, vector<16xf32>,
      %masked_sort3A_127 = arith.constant dense<true> : vector<16xi1>
      %masked_sort3A_128, %masked_sort3A_129, %masked_sort3A_130 = tpu.sort %get3A_126, %get3A_126 masked %masked_sort3A_127 {descending = true} : (vector<16xf32>, vector<16xf32>, vector<16xi1>) -> (vector<16xi1>, vector<16xf32>, vector<16xf32>)
      %min3A_131 = arith.minimumf %scan3A_93, %masked_sort3A_129 : vector<16xf32>
      %sort3A_132 = arith.constant dense<true> : vector<16xi1>
      %sort3A_133, %sort3A_134, %sort3A_135 = tpu.sort %min3A_131, %min3A_131 masked %sort3A_132 : (vector<16xf32>, vector<16xf32>, vector<16xi1>) -> (vector<16xi1>, vector<16xf32>, vector<16xf32>)
      %mul3A_136 = arith.constant 16 : i32
      %mul3A_137 = arith.muli %scan3A_90, %mul3A_136 : i32
      %get3A_138 = arith.constant 11 : i32
      %get3A_139 = arith.index_cast %get3A_138 : i32 to index
      %get3A_140 = arith.index_cast %mul3A_137 : i32 to index
      %get3A_141 = tpu.vector_load %arg4[%get3A_139, %get3A_140] {strides = array<i32>} : memref<16x2048xf32, #tpu.memory_space<vmem>>, vector<16xf32>,
      %masked_sort3A_142 = arith.constant dense<true> : vector<16xi1>
      %masked_sort3A_143, %masked_sort3A_144, %masked_sort3A_145 = tpu.sort %get3A_141, %get3A_141 masked %masked_sort3A_142 {descending = true} : (vector<16xf32>, vector<16xf32>, vector<16xi1>) -> (vector<16xi1>, vector<16xf32>, vector<16xf32>)
      %min3A_146 = arith.minimumf %scan3A_94, %masked_sort3A_144 : vector<16xf32>
      %sort3A_147 = arith.constant dense<true> : vector<16xi1>
      %sort3A_148, %sort3A_149, %sort3A_150 = tpu.sort %min3A_146, %min3A_146 masked %sort3A_147 : (vector<16xf32>, vector<16xf32>, vector<16xi1>) -> (vector<16xi1>, vector<16xf32>, vector<16xf32>)
      scf.yield %sort3A_104, %sort3A_119, %sort3A_134, %sort3A_149 : vector<16xf32>, vector<16xf32>, vector<16xf32>, vector<16xf32>
    }
    %scan3A_51 = arith.constant 128 : i32
    %swap3A_52 = arith.constant 8 : i32
    %swap3A_53 = arith.index_cast %swap3A_52 : i32 to index
    %swap3A_54 = arith.constant 0 : index
    %swap3A_55 = tpu.vector_load %arg5[%swap3A_53, %swap3A_54] {strides = array<i32>} : memref<16x16xf32, #tpu.memory_space<vmem>>, vector<16xf32>,
    tpu.vector_store %arg5[%swap3A_53, %swap3A_54], %scan3A_50#0 {strides = array<i32>} : memref<16x16xf32, #tpu.memory_space<vmem>>, vector<16xf32>,
    %swap3A_56 = arith.constant 9 : i32
    %swap3A_57 = arith.index_cast %swap3A_56 : i32 to index
    %swap3A_58 = arith.constant 0 : index
    %swap3A_59 = tpu.vector_load %arg5[%swap3A_57, %swap3A_58] {strides = array<i32>} : memref<16x16xf32, #tpu.memory_space<vmem>>, vector<16xf32>,
    tpu.vector_store %arg5[%swap3A_57, %swap3A_58], %scan3A_50#1 {strides = array<i32>} : memref<16x16xf32, #tpu.memory_space<vmem>>, vector<16xf32>,
    %swap3A_60 = arith.constant 10 : i32
    %swap3A_61 = arith.index_cast %swap3A_60 : i32 to index
    %swap3A_62 = arith.constant 0 : index
    %swap3A_63 = tpu.vector_load %arg5[%swap3A_61, %swap3A_62] {strides = array<i32>} : memref<16x16xf32, #tpu.memory_space<vmem>>, vector<16xf32>,
    tpu.vector_store %arg5[%swap3A_61, %swap3A_62], %scan3A_50#2 {strides = array<i32>} : memref<16x16xf32, #tpu.memory_space<vmem>>, vector<16xf32>,
    %swap3A_64 = arith.constant 11 : i32
    %swap3A_65 = arith.index_cast %swap3A_64 : i32 to index
    %swap3A_66 = arith.constant 0 : index
    %swap3A_67 = tpu.vector_load %arg5[%swap3A_65, %swap3A_66] {strides = array<i32>} : memref<16x16xf32, #tpu.memory_space<vmem>>, vector<16xf32>,
    tpu.vector_store %arg5[%swap3A_65, %swap3A_66], %scan3A_50#3 {strides = array<i32>} : memref<16x16xf32, #tpu.memory_space<vmem>>, vector<16xf32>,
    %scan3A_68 = arith.constant 0 : i32
    %scan3A_69 = arith.constant 128 : i32
    %scan3A_70 = arith.addi %scan3A_68, %scan3A_69 : i32
    %scan3A_71 = arith.constant 1 : i32
    %scan3A_72:4 = scf.for %scan3A_90 = %scan3A_68 to %scan3A_70 step %scan3A_71 iter_args(%scan3A_91 = %broadcast_in_dim3A_3, %scan3A_92 = %broadcast_in_dim3A_3, %scan3A_93 = %broadcast_in_dim3A_3, %scan3A_94 = %broadcast_in_dim3A_3) -> (vector<16xf32>, vector<16xf32>, vector<16xf32>, vector<16xf32>)  : i32 {
      %mul3A_95 = arith.constant 16 : i32
      %mul3A_96 = arith.muli %scan3A_90, %mul3A_95 : i32
      %get3A = arith.constant 12 : i32
      %get3A_97 = arith.index_cast %get3A : i32 to index
      %get3A_98 = arith.index_cast %mul3A_96 : i32 to index
      %get3A_99 = tpu.vector_load %arg4[%get3A_97, %get3A_98] {strides = array<i32>} : memref<16x2048xf32, #tpu.memory_space<vmem>>, vector<16xf32>,
      %masked_sort3A = arith.constant dense<true> : vector<16xi1>
      %masked_sort3A_100, %masked_sort3A_101, %masked_sort3A_102 = tpu.sort %get3A_99, %get3A_99 masked %masked_sort3A {descending = true} : (vector<16xf32>, vector<16xf32>, vector<16xi1>) -> (vector<16xi1>, vector<16xf32>, vector<16xf32>)
      %min3A = arith.minimumf %scan3A_91, %masked_sort3A_101 : vector<16xf32>
      %sort3A = arith.constant dense<true> : vector<16xi1>
      %sort3A_103, %sort3A_104, %sort3A_105 = tpu.sort %min3A, %min3A masked %sort3A : (vector<16xf32>, vector<16xf32>, vector<16xi1>) -> (vector<16xi1>, vector<16xf32>, vector<16xf32>)
      %mul3A_106 = arith.constant 16 : i32
      %mul3A_107 = arith.muli %scan3A_90, %mul3A_106 : i32
      %get3A_108 = arith.constant 13 : i32
      %get3A_109 = arith.index_cast %get3A_108 : i32 to index
      %get3A_110 = arith.index_cast %mul3A_107 : i32 to index
      %get3A_111 = tpu.vector_load %arg4[%get3A_109, %get3A_110] {strides = array<i32>} : memref<16x2048xf32, #tpu.memory_space<vmem>>, vector<16xf32>,
      %masked_sort3A_112 = arith.constant dense<true> : vector<16xi1>
      %masked_sort3A_113, %masked_sort3A_114, %masked_sort3A_115 = tpu.sort %get3A_111, %get3A_111 masked %masked_sort3A_112 {descending = true} : (vector<16xf32>, vector<16xf32>, vector<16xi1>) -> (vector<16xi1>, vector<16xf32>, vector<16xf32>)
      %min3A_116 = arith.minimumf %scan3A_92, %masked_sort3A_114 : vector<16xf32>
      %sort3A_117 = arith.constant dense<true> : vector<16xi1>
      %sort3A_118, %sort3A_119, %sort3A_120 = tpu.sort %min3A_116, %min3A_116 masked %sort3A_117 : (vector<16xf32>, vector<16xf32>, vector<16xi1>) -> (vector<16xi1>, vector<16xf32>, vector<16xf32>)
      %mul3A_121 = arith.constant 16 : i32
      %mul3A_122 = arith.muli %scan3A_90, %mul3A_121 : i32
      %get3A_123 = arith.constant 14 : i32
      %get3A_124 = arith.index_cast %get3A_123 : i32 to index
      %get3A_125 = arith.index_cast %mul3A_122 : i32 to index
      %get3A_126 = tpu.vector_load %arg4[%get3A_124, %get3A_125] {strides = array<i32>} : memref<16x2048xf32, #tpu.memory_space<vmem>>, vector<16xf32>,
      %masked_sort3A_127 = arith.constant dense<true> : vector<16xi1>
      %masked_sort3A_128, %masked_sort3A_129, %masked_sort3A_130 = tpu.sort %get3A_126, %get3A_126 masked %masked_sort3A_127 {descending = true} : (vector<16xf32>, vector<16xf32>, vector<16xi1>) -> (vector<16xi1>, vector<16xf32>, vector<16xf32>)
      %min3A_131 = arith.minimumf %scan3A_93, %masked_sort3A_129 : vector<16xf32>
      %sort3A_132 = arith.constant dense<true> : vector<16xi1>
      %sort3A_133, %sort3A_134, %sort3A_135 = tpu.sort %min3A_131, %min3A_131 masked %sort3A_132 : (vector<16xf32>, vector<16xf32>, vector<16xi1>) -> (vector<16xi1>, vector<16xf32>, vector<16xf32>)
      %mul3A_136 = arith.constant 16 : i32
      %mul3A_137 = arith.muli %scan3A_90, %mul3A_136 : i32
      %get3A_138 = arith.constant 15 : i32
      %get3A_139 = arith.index_cast %get3A_138 : i32 to index
      %get3A_140 = arith.index_cast %mul3A_137 : i32 to index
      %get3A_141 = tpu.vector_load %arg4[%get3A_139, %get3A_140] {strides = array<i32>} : memref<16x2048xf32, #tpu.memory_space<vmem>>, vector<16xf32>,
      %masked_sort3A_142 = arith.constant dense<true> : vector<16xi1>
      %masked_sort3A_143, %masked_sort3A_144, %masked_sort3A_145 = tpu.sort %get3A_141, %get3A_141 masked %masked_sort3A_142 {descending = true} : (vector<16xf32>, vector<16xf32>, vector<16xi1>) -> (vector<16xi1>, vector<16xf32>, vector<16xf32>)
      %min3A_146 = arith.minimumf %scan3A_94, %masked_sort3A_144 : vector<16xf32>
      %sort3A_147 = arith.constant dense<true> : vector<16xi1>
      %sort3A_148, %sort3A_149, %sort3A_150 = tpu.sort %min3A_146, %min3A_146 masked %sort3A_147 : (vector<16xf32>, vector<16xf32>, vector<16xi1>) -> (vector<16xi1>, vector<16xf32>, vector<16xf32>)
      scf.yield %sort3A_104, %sort3A_119, %sort3A_134, %sort3A_149 : vector<16xf32>, vector<16xf32>, vector<16xf32>, vector<16xf32>
    }
    %scan3A_73 = arith.constant 128 : i32
    %swap3A_74 = arith.constant 12 : i32
    %swap3A_75 = arith.index_cast %swap3A_74 : i32 to index
    %swap3A_76 = arith.constant 0 : index
    %swap3A_77 = tpu.vector_load %arg5[%swap3A_75, %swap3A_76] {strides = array<i32>} : memref<16x16xf32, #tpu.memory_space<vmem>>, vector<16xf32>,
    tpu.vector_store %arg5[%swap3A_75, %swap3A_76], %scan3A_72#0 {strides = array<i32>} : memref<16x16xf32, #tpu.memory_space<vmem>>, vector<16xf32>,
    %swap3A_78 = arith.constant 13 : i32
    %swap3A_79 = arith.index_cast %swap3A_78 : i32 to index
    %swap3A_80 = arith.constant 0 : index
    %swap3A_81 = tpu.vector_load %arg5[%swap3A_79, %swap3A_80] {strides = array<i32>} : memref<16x16xf32, #tpu.memory_space<vmem>>, vector<16xf32>,
    tpu.vector_store %arg5[%swap3A_79, %swap3A_80], %scan3A_72#1 {strides = array<i32>} : memref<16x16xf32, #tpu.memory_space<vmem>>, vector<16xf32>,
    %swap3A_82 = arith.constant 14 : i32
    %swap3A_83 = arith.index_cast %swap3A_82 : i32 to index
    %swap3A_84 = arith.constant 0 : index
    %swap3A_85 = tpu.vector_load %arg5[%swap3A_83, %swap3A_84] {strides = array<i32>} : memref<16x16xf32, #tpu.memory_space<vmem>>, vector<16xf32>,
    tpu.vector_store %arg5[%swap3A_83, %swap3A_84], %scan3A_72#2 {strides = array<i32>} : memref<16x16xf32, #tpu.memory_space<vmem>>, vector<16xf32>,
    %swap3A_86 = arith.constant 15 : i32
    %swap3A_87 = arith.index_cast %swap3A_86 : i32 to index
    %swap3A_88 = arith.constant 0 : index
    %swap3A_89 = tpu.vector_load %arg5[%swap3A_87, %swap3A_88] {strides = array<i32>} : memref<16x16xf32, #tpu.memory_space<vmem>>, vector<16xf32>,
    tpu.vector_store %arg5[%swap3A_87, %swap3A_88], %scan3A_72#3 {strides = array<i32>} : memref<16x16xf32, #tpu.memory_space<vmem>>, vector<16xf32>,
    "tpu.region"() ({
      %run_scoped3A = tpu.sem_alloc : memref<!tpu.dma_semaphore, #tpu.memory_space<semaphore_mem>>
      %dma_start3A = arith.constant 0 : i32
      %dma_start3A_90 = tpu.memref_slice %arg3[%mul3A_2, %dma_start3A] : memref<512x16xf32, #tpu.memory_space<hbm>> -> memref<16x16xf32, #tpu.memory_space<hbm>>
      %dma_start3A_91 = arith.constant 0 : i32
      %dma_start3A_92 = tpu.memref_slice %arg3[%mul3A_2, %dma_start3A_91] : memref<512x16xf32, #tpu.memory_space<hbm>> -> memref<16x16xf32, #tpu.memory_space<hbm>>
      tpu.enqueue_dma source(%arg5 : memref<16x16xf32, #tpu.memory_space<vmem>>) target(%dma_start3A_92 : memref<16x16xf32, #tpu.memory_space<hbm>>) target_semaphore(%run_scoped3A : memref<!tpu.dma_semaphore, #tpu.memory_space<semaphore_mem>>)
      %dma_wait3A = arith.constant 0 : i32
      %dma_wait3A_93 = tpu.memref_slice %arg3[%mul3A_2, %dma_wait3A] : memref<512x16xf32, #tpu.memory_space<hbm>> -> memref<16x16xf32, #tpu.memory_space<hbm>>
      %dma_wait3A_94 = arith.constant 0 : i32
      %dma_wait3A_95 = tpu.memref_slice %arg3[%mul3A_2, %dma_wait3A_94] : memref<512x16xf32, #tpu.memory_space<hbm>> -> memref<16x16xf32, #tpu.memory_space<hbm>>
      tpu.wait_dma2 semaphore(%run_scoped3A : memref<!tpu.dma_semaphore, #tpu.memory_space<semaphore_mem>>) src(%arg5 : memref<16x16xf32, #tpu.memory_space<vmem>>) dst(%dma_wait3A_95 : memref<16x16xf32, #tpu.memory_space<hbm>>)
      tpu.yield
    }) : () -> ()
    return
  }
}

module attributes {stable_mosaic.version = 14 : i64} {
  func.func @_ind_kernel(%arg0: i32, %arg1: memref<128x2048xf32, #tpu.memory_space<vmem>>, %arg2: memref<128x16xf32, #tpu.memory_space<vmem>>, %arg3: memref<128x16xf32, #tpu.memory_space<vmem>>, %arg4: memref<128x16xi32, #tpu.memory_space<vmem>>) attributes {dimension_semantics = [#tpu.dimension_semantics<arbitrary>], iteration_bounds = array<i64: 4>, scalar_prefetch = 0 : i64, scratch_operands = 0 : i64, tpu.core_type = #tpu.core_type<tc>, window_params = [{transform_indices = @transform_0, window_bounds = array<i64: 128, 2048>}, {transform_indices = @transform_1, window_bounds = array<i64: 128, 16>}, {transform_indices = @transform_2, window_bounds = array<i64: 128, 16>}, {transform_indices = @transform_3, window_bounds = array<i64: 128, 16>}]} {
    %get3A = arith.constant 0 : index
    %get3A_0 = arith.constant 0 : index
    %get3A_1 = vector.load %arg1[%get3A, %get3A_0] : memref<128x2048xf32, #tpu.memory_space<vmem>>, vector<128x2048xf32>
    %get3A_2 = arith.constant 0 : index
    %get3A_3 = arith.constant 0 : index
    %get3A_4 = vector.load %arg2[%get3A_2, %get3A_3] : memref<128x16xf32, #tpu.memory_space<vmem>>, vector<128x16xf32>
    %iota3A = tpu.iota {dimensions = array<i32: 1>} : vector<128x2048xi32>
    %swap3A = arith.constant 0 : index
    %swap3A_5 = arith.constant 0 : index
    %swap3A_6 = vector.load %arg3[%swap3A, %swap3A_5] : memref<128x16xf32, #tpu.memory_space<vmem>>, vector<128x16xf32>
    tpu.vector_store %arg3[%swap3A, %swap3A_5], %get3A_4 {strides = array<i32>} : memref<128x16xf32, #tpu.memory_space<vmem>>, vector<128x16xf32>,
    %slice3A = vector.extract_strided_slice %get3A_4 {offsets = [0, 0], sizes = [128, 1], strides = [1, 1]} : vector<128x16xf32> to vector<128x1xf32>
    %eq3A = vector.broadcast %slice3A : vector<128x1xf32> to vector<128x2048xf32>
    %eq3A_7 = arith.cmpf oeq, %get3A_1, %eq3A : vector<128x2048xf32>
    %jit3A = arith.constant 2048 : i32
    %broadcast_in_dim3A = vector.broadcast %jit3A : i32 to vector<128x2048xi32>
    %select_n3A = arith.select %eq3A_7, %iota3A, %broadcast_in_dim3A : vector<128x2048xi1>, vector<128x2048xi32>
    %reduce_min3A = arith.constant dense<2147483647> : vector<128xi32>
    %reduce_min3A_8 = vector.multi_reduction <minsi>, %select_n3A, %reduce_min3A [1] : vector<128x2048xi32> to vector<128xi32>
    %broadcast_in_dim3A_9 = vector.shape_cast %reduce_min3A_8 : vector<128xi32> to vector<128x1xi32>
    %squeeze3A = vector.shape_cast %broadcast_in_dim3A_9 : vector<128x1xi32> to vector<128xi32>
    %swap3A_10 = arith.constant 0 : index
    %swap3A_11 = arith.constant 0 : index
    %swap3A_12 = vector.load %arg4[%swap3A_10, %swap3A_11] : memref<128x16xi32, #tpu.memory_space<vmem>>, vector<128x1xi32>
    %swap3A_13 = vector.shape_cast %swap3A_12 : vector<128x1xi32> to vector<128xi32>
    %swap3A_14 = vector.shape_cast %squeeze3A : vector<128xi32> to vector<128x1xi32>
    tpu.vector_store %arg4[%swap3A_10, %swap3A_11], %swap3A_14 {strides = array<i32>} : memref<128x16xi32, #tpu.memory_space<vmem>>, vector<128x1xi32>,
    %eq3A_15 = vector.broadcast %broadcast_in_dim3A_9 : vector<128x1xi32> to vector<128x2048xi32>
    %eq3A_16 = arith.cmpi eq, %iota3A, %eq3A_15 : vector<128x2048xi32>
    %jit3A_17 = arith.constant 0x7F800000 : f32
    %broadcast_in_dim3A_18 = vector.broadcast %jit3A_17 : f32 to vector<128x2048xf32>
    %select_n3A_19 = arith.select %eq3A_16, %broadcast_in_dim3A_18, %get3A_1 : vector<128x2048xi1>, vector<128x2048xf32>
    %slice3A_20 = vector.extract_strided_slice %get3A_4 {offsets = [0, 1], sizes = [128, 1], strides = [1, 1]} : vector<128x16xf32> to vector<128x1xf32>
    %eq3A_21 = vector.broadcast %slice3A_20 : vector<128x1xf32> to vector<128x2048xf32>
    %eq3A_22 = arith.cmpf oeq, %select_n3A_19, %eq3A_21 : vector<128x2048xf32>
    %jit3A_23 = arith.constant 2048 : i32
    %broadcast_in_dim3A_24 = vector.broadcast %jit3A_23 : i32 to vector<128x2048xi32>
    %select_n3A_25 = arith.select %eq3A_22, %iota3A, %broadcast_in_dim3A_24 : vector<128x2048xi1>, vector<128x2048xi32>
    %reduce_min3A_26 = arith.constant dense<2147483647> : vector<128xi32>
    %reduce_min3A_27 = vector.multi_reduction <minsi>, %select_n3A_25, %reduce_min3A_26 [1] : vector<128x2048xi32> to vector<128xi32>
    %broadcast_in_dim3A_28 = vector.shape_cast %reduce_min3A_27 : vector<128xi32> to vector<128x1xi32>
    %squeeze3A_29 = vector.shape_cast %broadcast_in_dim3A_28 : vector<128x1xi32> to vector<128xi32>
    %swap3A_30 = arith.constant 0 : index
    %swap3A_31 = arith.constant 1 : index
    %swap3A_32 = vector.load %arg4[%swap3A_30, %swap3A_31] : memref<128x16xi32, #tpu.memory_space<vmem>>, vector<128x1xi32>
    %swap3A_33 = vector.shape_cast %swap3A_32 : vector<128x1xi32> to vector<128xi32>
    %swap3A_34 = vector.shape_cast %squeeze3A_29 : vector<128xi32> to vector<128x1xi32>
    tpu.vector_store %arg4[%swap3A_30, %swap3A_31], %swap3A_34 {strides = array<i32>} : memref<128x16xi32, #tpu.memory_space<vmem>>, vector<128x1xi32>,
    %eq3A_35 = vector.broadcast %broadcast_in_dim3A_28 : vector<128x1xi32> to vector<128x2048xi32>
    %eq3A_36 = arith.cmpi eq, %iota3A, %eq3A_35 : vector<128x2048xi32>
    %jit3A_37 = arith.constant 0x7F800000 : f32
    %broadcast_in_dim3A_38 = vector.broadcast %jit3A_37 : f32 to vector<128x2048xf32>
    %select_n3A_39 = arith.select %eq3A_36, %broadcast_in_dim3A_38, %select_n3A_19 : vector<128x2048xi1>, vector<128x2048xf32>
    %slice3A_40 = vector.extract_strided_slice %get3A_4 {offsets = [0, 2], sizes = [128, 1], strides = [1, 1]} : vector<128x16xf32> to vector<128x1xf32>
    %eq3A_41 = vector.broadcast %slice3A_40 : vector<128x1xf32> to vector<128x2048xf32>
    %eq3A_42 = arith.cmpf oeq, %select_n3A_39, %eq3A_41 : vector<128x2048xf32>
    %jit3A_43 = arith.constant 2048 : i32
    %broadcast_in_dim3A_44 = vector.broadcast %jit3A_43 : i32 to vector<128x2048xi32>
    %select_n3A_45 = arith.select %eq3A_42, %iota3A, %broadcast_in_dim3A_44 : vector<128x2048xi1>, vector<128x2048xi32>
    %reduce_min3A_46 = arith.constant dense<2147483647> : vector<128xi32>
    %reduce_min3A_47 = vector.multi_reduction <minsi>, %select_n3A_45, %reduce_min3A_46 [1] : vector<128x2048xi32> to vector<128xi32>
    %broadcast_in_dim3A_48 = vector.shape_cast %reduce_min3A_47 : vector<128xi32> to vector<128x1xi32>
    %squeeze3A_49 = vector.shape_cast %broadcast_in_dim3A_48 : vector<128x1xi32> to vector<128xi32>
    %swap3A_50 = arith.constant 0 : index
    %swap3A_51 = arith.constant 2 : index
    %swap3A_52 = vector.load %arg4[%swap3A_50, %swap3A_51] : memref<128x16xi32, #tpu.memory_space<vmem>>, vector<128x1xi32>
    %swap3A_53 = vector.shape_cast %swap3A_52 : vector<128x1xi32> to vector<128xi32>
    %swap3A_54 = vector.shape_cast %squeeze3A_49 : vector<128xi32> to vector<128x1xi32>
    tpu.vector_store %arg4[%swap3A_50, %swap3A_51], %swap3A_54 {strides = array<i32>} : memref<128x16xi32, #tpu.memory_space<vmem>>, vector<128x1xi32>,
    %eq3A_55 = vector.broadcast %broadcast_in_dim3A_48 : vector<128x1xi32> to vector<128x2048xi32>
    %eq3A_56 = arith.cmpi eq, %iota3A, %eq3A_55 : vector<128x2048xi32>
    %jit3A_57 = arith.constant 0x7F800000 : f32
    %broadcast_in_dim3A_58 = vector.broadcast %jit3A_57 : f32 to vector<128x2048xf32>
    %select_n3A_59 = arith.select %eq3A_56, %broadcast_in_dim3A_58, %select_n3A_39 : vector<128x2048xi1>, vector<128x2048xf32>
    %slice3A_60 = vector.extract_strided_slice %get3A_4 {offsets = [0, 3], sizes = [128, 1], strides = [1, 1]} : vector<128x16xf32> to vector<128x1xf32>
    %eq3A_61 = vector.broadcast %slice3A_60 : vector<128x1xf32> to vector<128x2048xf32>
    %eq3A_62 = arith.cmpf oeq, %select_n3A_59, %eq3A_61 : vector<128x2048xf32>
    %jit3A_63 = arith.constant 2048 : i32
    %broadcast_in_dim3A_64 = vector.broadcast %jit3A_63 : i32 to vector<128x2048xi32>
    %select_n3A_65 = arith.select %eq3A_62, %iota3A, %broadcast_in_dim3A_64 : vector<128x2048xi1>, vector<128x2048xi32>
    %reduce_min3A_66 = arith.constant dense<2147483647> : vector<128xi32>
    %reduce_min3A_67 = vector.multi_reduction <minsi>, %select_n3A_65, %reduce_min3A_66 [1] : vector<128x2048xi32> to vector<128xi32>
    %broadcast_in_dim3A_68 = vector.shape_cast %reduce_min3A_67 : vector<128xi32> to vector<128x1xi32>
    %squeeze3A_69 = vector.shape_cast %broadcast_in_dim3A_68 : vector<128x1xi32> to vector<128xi32>
    %swap3A_70 = arith.constant 0 : index
    %swap3A_71 = arith.constant 3 : index
    %swap3A_72 = vector.load %arg4[%swap3A_70, %swap3A_71] : memref<128x16xi32, #tpu.memory_space<vmem>>, vector<128x1xi32>
    %swap3A_73 = vector.shape_cast %swap3A_72 : vector<128x1xi32> to vector<128xi32>
    %swap3A_74 = vector.shape_cast %squeeze3A_69 : vector<128xi32> to vector<128x1xi32>
    tpu.vector_store %arg4[%swap3A_70, %swap3A_71], %swap3A_74 {strides = array<i32>} : memref<128x16xi32, #tpu.memory_space<vmem>>, vector<128x1xi32>,
    %eq3A_75 = vector.broadcast %broadcast_in_dim3A_68 : vector<128x1xi32> to vector<128x2048xi32>
    %eq3A_76 = arith.cmpi eq, %iota3A, %eq3A_75 : vector<128x2048xi32>
    %jit3A_77 = arith.constant 0x7F800000 : f32
    %broadcast_in_dim3A_78 = vector.broadcast %jit3A_77 : f32 to vector<128x2048xf32>
    %select_n3A_79 = arith.select %eq3A_76, %broadcast_in_dim3A_78, %select_n3A_59 : vector<128x2048xi1>, vector<128x2048xf32>
    %slice3A_80 = vector.extract_strided_slice %get3A_4 {offsets = [0, 4], sizes = [128, 1], strides = [1, 1]} : vector<128x16xf32> to vector<128x1xf32>
    %eq3A_81 = vector.broadcast %slice3A_80 : vector<128x1xf32> to vector<128x2048xf32>
    %eq3A_82 = arith.cmpf oeq, %select_n3A_79, %eq3A_81 : vector<128x2048xf32>
    %jit3A_83 = arith.constant 2048 : i32
    %broadcast_in_dim3A_84 = vector.broadcast %jit3A_83 : i32 to vector<128x2048xi32>
    %select_n3A_85 = arith.select %eq3A_82, %iota3A, %broadcast_in_dim3A_84 : vector<128x2048xi1>, vector<128x2048xi32>
    %reduce_min3A_86 = arith.constant dense<2147483647> : vector<128xi32>
    %reduce_min3A_87 = vector.multi_reduction <minsi>, %select_n3A_85, %reduce_min3A_86 [1] : vector<128x2048xi32> to vector<128xi32>
    %broadcast_in_dim3A_88 = vector.shape_cast %reduce_min3A_87 : vector<128xi32> to vector<128x1xi32>
    %squeeze3A_89 = vector.shape_cast %broadcast_in_dim3A_88 : vector<128x1xi32> to vector<128xi32>
    %swap3A_90 = arith.constant 0 : index
    %swap3A_91 = arith.constant 4 : index
    %swap3A_92 = vector.load %arg4[%swap3A_90, %swap3A_91] : memref<128x16xi32, #tpu.memory_space<vmem>>, vector<128x1xi32>
    %swap3A_93 = vector.shape_cast %swap3A_92 : vector<128x1xi32> to vector<128xi32>
    %swap3A_94 = vector.shape_cast %squeeze3A_89 : vector<128xi32> to vector<128x1xi32>
    tpu.vector_store %arg4[%swap3A_90, %swap3A_91], %swap3A_94 {strides = array<i32>} : memref<128x16xi32, #tpu.memory_space<vmem>>, vector<128x1xi32>,
    %eq3A_95 = vector.broadcast %broadcast_in_dim3A_88 : vector<128x1xi32> to vector<128x2048xi32>
    %eq3A_96 = arith.cmpi eq, %iota3A, %eq3A_95 : vector<128x2048xi32>
    %jit3A_97 = arith.constant 0x7F800000 : f32
    %broadcast_in_dim3A_98 = vector.broadcast %jit3A_97 : f32 to vector<128x2048xf32>
    %select_n3A_99 = arith.select %eq3A_96, %broadcast_in_dim3A_98, %select_n3A_79 : vector<128x2048xi1>, vector<128x2048xf32>
    %slice3A_100 = vector.extract_strided_slice %get3A_4 {offsets = [0, 5], sizes = [128, 1], strides = [1, 1]} : vector<128x16xf32> to vector<128x1xf32>
    %eq3A_101 = vector.broadcast %slice3A_100 : vector<128x1xf32> to vector<128x2048xf32>
    %eq3A_102 = arith.cmpf oeq, %select_n3A_99, %eq3A_101 : vector<128x2048xf32>
    %jit3A_103 = arith.constant 2048 : i32
    %broadcast_in_dim3A_104 = vector.broadcast %jit3A_103 : i32 to vector<128x2048xi32>
    %select_n3A_105 = arith.select %eq3A_102, %iota3A, %broadcast_in_dim3A_104 : vector<128x2048xi1>, vector<128x2048xi32>
    %reduce_min3A_106 = arith.constant dense<2147483647> : vector<128xi32>
    %reduce_min3A_107 = vector.multi_reduction <minsi>, %select_n3A_105, %reduce_min3A_106 [1] : vector<128x2048xi32> to vector<128xi32>
    %broadcast_in_dim3A_108 = vector.shape_cast %reduce_min3A_107 : vector<128xi32> to vector<128x1xi32>
    %squeeze3A_109 = vector.shape_cast %broadcast_in_dim3A_108 : vector<128x1xi32> to vector<128xi32>
    %swap3A_110 = arith.constant 0 : index
    %swap3A_111 = arith.constant 5 : index
    %swap3A_112 = vector.load %arg4[%swap3A_110, %swap3A_111] : memref<128x16xi32, #tpu.memory_space<vmem>>, vector<128x1xi32>
    %swap3A_113 = vector.shape_cast %swap3A_112 : vector<128x1xi32> to vector<128xi32>
    %swap3A_114 = vector.shape_cast %squeeze3A_109 : vector<128xi32> to vector<128x1xi32>
    tpu.vector_store %arg4[%swap3A_110, %swap3A_111], %swap3A_114 {strides = array<i32>} : memref<128x16xi32, #tpu.memory_space<vmem>>, vector<128x1xi32>,
    %eq3A_115 = vector.broadcast %broadcast_in_dim3A_108 : vector<128x1xi32> to vector<128x2048xi32>
    %eq3A_116 = arith.cmpi eq, %iota3A, %eq3A_115 : vector<128x2048xi32>
    %jit3A_117 = arith.constant 0x7F800000 : f32
    %broadcast_in_dim3A_118 = vector.broadcast %jit3A_117 : f32 to vector<128x2048xf32>
    %select_n3A_119 = arith.select %eq3A_116, %broadcast_in_dim3A_118, %select_n3A_99 : vector<128x2048xi1>, vector<128x2048xf32>
    %slice3A_120 = vector.extract_strided_slice %get3A_4 {offsets = [0, 6], sizes = [128, 1], strides = [1, 1]} : vector<128x16xf32> to vector<128x1xf32>
    %eq3A_121 = vector.broadcast %slice3A_120 : vector<128x1xf32> to vector<128x2048xf32>
    %eq3A_122 = arith.cmpf oeq, %select_n3A_119, %eq3A_121 : vector<128x2048xf32>
    %jit3A_123 = arith.constant 2048 : i32
    %broadcast_in_dim3A_124 = vector.broadcast %jit3A_123 : i32 to vector<128x2048xi32>
    %select_n3A_125 = arith.select %eq3A_122, %iota3A, %broadcast_in_dim3A_124 : vector<128x2048xi1>, vector<128x2048xi32>
    %reduce_min3A_126 = arith.constant dense<2147483647> : vector<128xi32>
    %reduce_min3A_127 = vector.multi_reduction <minsi>, %select_n3A_125, %reduce_min3A_126 [1] : vector<128x2048xi32> to vector<128xi32>
    %broadcast_in_dim3A_128 = vector.shape_cast %reduce_min3A_127 : vector<128xi32> to vector<128x1xi32>
    %squeeze3A_129 = vector.shape_cast %broadcast_in_dim3A_128 : vector<128x1xi32> to vector<128xi32>
    %swap3A_130 = arith.constant 0 : index
    %swap3A_131 = arith.constant 6 : index
    %swap3A_132 = vector.load %arg4[%swap3A_130, %swap3A_131] : memref<128x16xi32, #tpu.memory_space<vmem>>, vector<128x1xi32>
    %swap3A_133 = vector.shape_cast %swap3A_132 : vector<128x1xi32> to vector<128xi32>
    %swap3A_134 = vector.shape_cast %squeeze3A_129 : vector<128xi32> to vector<128x1xi32>
    tpu.vector_store %arg4[%swap3A_130, %swap3A_131], %swap3A_134 {strides = array<i32>} : memref<128x16xi32, #tpu.memory_space<vmem>>, vector<128x1xi32>,
    %eq3A_135 = vector.broadcast %broadcast_in_dim3A_128 : vector<128x1xi32> to vector<128x2048xi32>
    %eq3A_136 = arith.cmpi eq, %iota3A, %eq3A_135 : vector<128x2048xi32>
    %jit3A_137 = arith.constant 0x7F800000 : f32
    %broadcast_in_dim3A_138 = vector.broadcast %jit3A_137 : f32 to vector<128x2048xf32>
    %select_n3A_139 = arith.select %eq3A_136, %broadcast_in_dim3A_138, %select_n3A_119 : vector<128x2048xi1>, vector<128x2048xf32>
    %slice3A_140 = vector.extract_strided_slice %get3A_4 {offsets = [0, 7], sizes = [128, 1], strides = [1, 1]} : vector<128x16xf32> to vector<128x1xf32>
    %eq3A_141 = vector.broadcast %slice3A_140 : vector<128x1xf32> to vector<128x2048xf32>
    %eq3A_142 = arith.cmpf oeq, %select_n3A_139, %eq3A_141 : vector<128x2048xf32>
    %jit3A_143 = arith.constant 2048 : i32
    %broadcast_in_dim3A_144 = vector.broadcast %jit3A_143 : i32 to vector<128x2048xi32>
    %select_n3A_145 = arith.select %eq3A_142, %iota3A, %broadcast_in_dim3A_144 : vector<128x2048xi1>, vector<128x2048xi32>
    %reduce_min3A_146 = arith.constant dense<2147483647> : vector<128xi32>
    %reduce_min3A_147 = vector.multi_reduction <minsi>, %select_n3A_145, %reduce_min3A_146 [1] : vector<128x2048xi32> to vector<128xi32>
    %broadcast_in_dim3A_148 = vector.shape_cast %reduce_min3A_147 : vector<128xi32> to vector<128x1xi32>
    %squeeze3A_149 = vector.shape_cast %broadcast_in_dim3A_148 : vector<128x1xi32> to vector<128xi32>
    %swap3A_150 = arith.constant 0 : index
    %swap3A_151 = arith.constant 7 : index
    %swap3A_152 = vector.load %arg4[%swap3A_150, %swap3A_151] : memref<128x16xi32, #tpu.memory_space<vmem>>, vector<128x1xi32>
    %swap3A_153 = vector.shape_cast %swap3A_152 : vector<128x1xi32> to vector<128xi32>
    %swap3A_154 = vector.shape_cast %squeeze3A_149 : vector<128xi32> to vector<128x1xi32>
    tpu.vector_store %arg4[%swap3A_150, %swap3A_151], %swap3A_154 {strides = array<i32>} : memref<128x16xi32, #tpu.memory_space<vmem>>, vector<128x1xi32>,
    %eq3A_155 = vector.broadcast %broadcast_in_dim3A_148 : vector<128x1xi32> to vector<128x2048xi32>
    %eq3A_156 = arith.cmpi eq, %iota3A, %eq3A_155 : vector<128x2048xi32>
    %jit3A_157 = arith.constant 0x7F800000 : f32
    %broadcast_in_dim3A_158 = vector.broadcast %jit3A_157 : f32 to vector<128x2048xf32>
    %select_n3A_159 = arith.select %eq3A_156, %broadcast_in_dim3A_158, %select_n3A_139 : vector<128x2048xi1>, vector<128x2048xf32>
    %slice3A_160 = vector.extract_strided_slice %get3A_4 {offsets = [0, 8], sizes = [128, 1], strides = [1, 1]} : vector<128x16xf32> to vector<128x1xf32>
    %eq3A_161 = vector.broadcast %slice3A_160 : vector<128x1xf32> to vector<128x2048xf32>
    %eq3A_162 = arith.cmpf oeq, %select_n3A_159, %eq3A_161 : vector<128x2048xf32>
    %jit3A_163 = arith.constant 2048 : i32
    %broadcast_in_dim3A_164 = vector.broadcast %jit3A_163 : i32 to vector<128x2048xi32>
    %select_n3A_165 = arith.select %eq3A_162, %iota3A, %broadcast_in_dim3A_164 : vector<128x2048xi1>, vector<128x2048xi32>
    %reduce_min3A_166 = arith.constant dense<2147483647> : vector<128xi32>
    %reduce_min3A_167 = vector.multi_reduction <minsi>, %select_n3A_165, %reduce_min3A_166 [1] : vector<128x2048xi32> to vector<128xi32>
    %broadcast_in_dim3A_168 = vector.shape_cast %reduce_min3A_167 : vector<128xi32> to vector<128x1xi32>
    %squeeze3A_169 = vector.shape_cast %broadcast_in_dim3A_168 : vector<128x1xi32> to vector<128xi32>
    %swap3A_170 = arith.constant 0 : index
    %swap3A_171 = arith.constant 8 : index
    %swap3A_172 = vector.load %arg4[%swap3A_170, %swap3A_171] : memref<128x16xi32, #tpu.memory_space<vmem>>, vector<128x1xi32>
    %swap3A_173 = vector.shape_cast %swap3A_172 : vector<128x1xi32> to vector<128xi32>
    %swap3A_174 = vector.shape_cast %squeeze3A_169 : vector<128xi32> to vector<128x1xi32>
    tpu.vector_store %arg4[%swap3A_170, %swap3A_171], %swap3A_174 {strides = array<i32>} : memref<128x16xi32, #tpu.memory_space<vmem>>, vector<128x1xi32>,
    %eq3A_175 = vector.broadcast %broadcast_in_dim3A_168 : vector<128x1xi32> to vector<128x2048xi32>
    %eq3A_176 = arith.cmpi eq, %iota3A, %eq3A_175 : vector<128x2048xi32>
    %jit3A_177 = arith.constant 0x7F800000 : f32
    %broadcast_in_dim3A_178 = vector.broadcast %jit3A_177 : f32 to vector<128x2048xf32>
    %select_n3A_179 = arith.select %eq3A_176, %broadcast_in_dim3A_178, %select_n3A_159 : vector<128x2048xi1>, vector<128x2048xf32>
    %slice3A_180 = vector.extract_strided_slice %get3A_4 {offsets = [0, 9], sizes = [128, 1], strides = [1, 1]} : vector<128x16xf32> to vector<128x1xf32>
    %eq3A_181 = vector.broadcast %slice3A_180 : vector<128x1xf32> to vector<128x2048xf32>
    %eq3A_182 = arith.cmpf oeq, %select_n3A_179, %eq3A_181 : vector<128x2048xf32>
    %jit3A_183 = arith.constant 2048 : i32
    %broadcast_in_dim3A_184 = vector.broadcast %jit3A_183 : i32 to vector<128x2048xi32>
    %select_n3A_185 = arith.select %eq3A_182, %iota3A, %broadcast_in_dim3A_184 : vector<128x2048xi1>, vector<128x2048xi32>
    %reduce_min3A_186 = arith.constant dense<2147483647> : vector<128xi32>
    %reduce_min3A_187 = vector.multi_reduction <minsi>, %select_n3A_185, %reduce_min3A_186 [1] : vector<128x2048xi32> to vector<128xi32>
    %broadcast_in_dim3A_188 = vector.shape_cast %reduce_min3A_187 : vector<128xi32> to vector<128x1xi32>
    %squeeze3A_189 = vector.shape_cast %broadcast_in_dim3A_188 : vector<128x1xi32> to vector<128xi32>
    %swap3A_190 = arith.constant 0 : index
    %swap3A_191 = arith.constant 9 : index
    %swap3A_192 = vector.load %arg4[%swap3A_190, %swap3A_191] : memref<128x16xi32, #tpu.memory_space<vmem>>, vector<128x1xi32>
    %swap3A_193 = vector.shape_cast %swap3A_192 : vector<128x1xi32> to vector<128xi32>
    %swap3A_194 = vector.shape_cast %squeeze3A_189 : vector<128xi32> to vector<128x1xi32>
    tpu.vector_store %arg4[%swap3A_190, %swap3A_191], %swap3A_194 {strides = array<i32>} : memref<128x16xi32, #tpu.memory_space<vmem>>, vector<128x1xi32>,
    %eq3A_195 = vector.broadcast %broadcast_in_dim3A_188 : vector<128x1xi32> to vector<128x2048xi32>
    %eq3A_196 = arith.cmpi eq, %iota3A, %eq3A_195 : vector<128x2048xi32>
    %jit3A_197 = arith.constant 0x7F800000 : f32
    %broadcast_in_dim3A_198 = vector.broadcast %jit3A_197 : f32 to vector<128x2048xf32>
    %select_n3A_199 = arith.select %eq3A_196, %broadcast_in_dim3A_198, %select_n3A_179 : vector<128x2048xi1>, vector<128x2048xf32>
    %slice3A_200 = vector.extract_strided_slice %get3A_4 {offsets = [0, 10], sizes = [128, 1], strides = [1, 1]} : vector<128x16xf32> to vector<128x1xf32>
    %eq3A_201 = vector.broadcast %slice3A_200 : vector<128x1xf32> to vector<128x2048xf32>
    %eq3A_202 = arith.cmpf oeq, %select_n3A_199, %eq3A_201 : vector<128x2048xf32>
    %jit3A_203 = arith.constant 2048 : i32
    %broadcast_in_dim3A_204 = vector.broadcast %jit3A_203 : i32 to vector<128x2048xi32>
    %select_n3A_205 = arith.select %eq3A_202, %iota3A, %broadcast_in_dim3A_204 : vector<128x2048xi1>, vector<128x2048xi32>
    %reduce_min3A_206 = arith.constant dense<2147483647> : vector<128xi32>
    %reduce_min3A_207 = vector.multi_reduction <minsi>, %select_n3A_205, %reduce_min3A_206 [1] : vector<128x2048xi32> to vector<128xi32>
    %broadcast_in_dim3A_208 = vector.shape_cast %reduce_min3A_207 : vector<128xi32> to vector<128x1xi32>
    %squeeze3A_209 = vector.shape_cast %broadcast_in_dim3A_208 : vector<128x1xi32> to vector<128xi32>
    %swap3A_210 = arith.constant 0 : index
    %swap3A_211 = arith.constant 10 : index
    %swap3A_212 = vector.load %arg4[%swap3A_210, %swap3A_211] : memref<128x16xi32, #tpu.memory_space<vmem>>, vector<128x1xi32>
    %swap3A_213 = vector.shape_cast %swap3A_212 : vector<128x1xi32> to vector<128xi32>
    %swap3A_214 = vector.shape_cast %squeeze3A_209 : vector<128xi32> to vector<128x1xi32>
    tpu.vector_store %arg4[%swap3A_210, %swap3A_211], %swap3A_214 {strides = array<i32>} : memref<128x16xi32, #tpu.memory_space<vmem>>, vector<128x1xi32>,
    %eq3A_215 = vector.broadcast %broadcast_in_dim3A_208 : vector<128x1xi32> to vector<128x2048xi32>
    %eq3A_216 = arith.cmpi eq, %iota3A, %eq3A_215 : vector<128x2048xi32>
    %jit3A_217 = arith.constant 0x7F800000 : f32
    %broadcast_in_dim3A_218 = vector.broadcast %jit3A_217 : f32 to vector<128x2048xf32>
    %select_n3A_219 = arith.select %eq3A_216, %broadcast_in_dim3A_218, %select_n3A_199 : vector<128x2048xi1>, vector<128x2048xf32>
    %slice3A_220 = vector.extract_strided_slice %get3A_4 {offsets = [0, 11], sizes = [128, 1], strides = [1, 1]} : vector<128x16xf32> to vector<128x1xf32>
    %eq3A_221 = vector.broadcast %slice3A_220 : vector<128x1xf32> to vector<128x2048xf32>
    %eq3A_222 = arith.cmpf oeq, %select_n3A_219, %eq3A_221 : vector<128x2048xf32>
    %jit3A_223 = arith.constant 2048 : i32
    %broadcast_in_dim3A_224 = vector.broadcast %jit3A_223 : i32 to vector<128x2048xi32>
    %select_n3A_225 = arith.select %eq3A_222, %iota3A, %broadcast_in_dim3A_224 : vector<128x2048xi1>, vector<128x2048xi32>
    %reduce_min3A_226 = arith.constant dense<2147483647> : vector<128xi32>
    %reduce_min3A_227 = vector.multi_reduction <minsi>, %select_n3A_225, %reduce_min3A_226 [1] : vector<128x2048xi32> to vector<128xi32>
    %broadcast_in_dim3A_228 = vector.shape_cast %reduce_min3A_227 : vector<128xi32> to vector<128x1xi32>
    %squeeze3A_229 = vector.shape_cast %broadcast_in_dim3A_228 : vector<128x1xi32> to vector<128xi32>
    %swap3A_230 = arith.constant 0 : index
    %swap3A_231 = arith.constant 11 : index
    %swap3A_232 = vector.load %arg4[%swap3A_230, %swap3A_231] : memref<128x16xi32, #tpu.memory_space<vmem>>, vector<128x1xi32>
    %swap3A_233 = vector.shape_cast %swap3A_232 : vector<128x1xi32> to vector<128xi32>
    %swap3A_234 = vector.shape_cast %squeeze3A_229 : vector<128xi32> to vector<128x1xi32>
    tpu.vector_store %arg4[%swap3A_230, %swap3A_231], %swap3A_234 {strides = array<i32>} : memref<128x16xi32, #tpu.memory_space<vmem>>, vector<128x1xi32>,
    %eq3A_235 = vector.broadcast %broadcast_in_dim3A_228 : vector<128x1xi32> to vector<128x2048xi32>
    %eq3A_236 = arith.cmpi eq, %iota3A, %eq3A_235 : vector<128x2048xi32>
    %jit3A_237 = arith.constant 0x7F800000 : f32
    %broadcast_in_dim3A_238 = vector.broadcast %jit3A_237 : f32 to vector<128x2048xf32>
    %select_n3A_239 = arith.select %eq3A_236, %broadcast_in_dim3A_238, %select_n3A_219 : vector<128x2048xi1>, vector<128x2048xf32>
    %slice3A_240 = vector.extract_strided_slice %get3A_4 {offsets = [0, 12], sizes = [128, 1], strides = [1, 1]} : vector<128x16xf32> to vector<128x1xf32>
    %eq3A_241 = vector.broadcast %slice3A_240 : vector<128x1xf32> to vector<128x2048xf32>
    %eq3A_242 = arith.cmpf oeq, %select_n3A_239, %eq3A_241 : vector<128x2048xf32>
    %jit3A_243 = arith.constant 2048 : i32
    %broadcast_in_dim3A_244 = vector.broadcast %jit3A_243 : i32 to vector<128x2048xi32>
    %select_n3A_245 = arith.select %eq3A_242, %iota3A, %broadcast_in_dim3A_244 : vector<128x2048xi1>, vector<128x2048xi32>
    %reduce_min3A_246 = arith.constant dense<2147483647> : vector<128xi32>
    %reduce_min3A_247 = vector.multi_reduction <minsi>, %select_n3A_245, %reduce_min3A_246 [1] : vector<128x2048xi32> to vector<128xi32>
    %broadcast_in_dim3A_248 = vector.shape_cast %reduce_min3A_247 : vector<128xi32> to vector<128x1xi32>
    %squeeze3A_249 = vector.shape_cast %broadcast_in_dim3A_248 : vector<128x1xi32> to vector<128xi32>
    %swap3A_250 = arith.constant 0 : index
    %swap3A_251 = arith.constant 12 : index
    %swap3A_252 = vector.load %arg4[%swap3A_250, %swap3A_251] : memref<128x16xi32, #tpu.memory_space<vmem>>, vector<128x1xi32>
    %swap3A_253 = vector.shape_cast %swap3A_252 : vector<128x1xi32> to vector<128xi32>
    %swap3A_254 = vector.shape_cast %squeeze3A_249 : vector<128xi32> to vector<128x1xi32>
    tpu.vector_store %arg4[%swap3A_250, %swap3A_251], %swap3A_254 {strides = array<i32>} : memref<128x16xi32, #tpu.memory_space<vmem>>, vector<128x1xi32>,
    %eq3A_255 = vector.broadcast %broadcast_in_dim3A_248 : vector<128x1xi32> to vector<128x2048xi32>
    %eq3A_256 = arith.cmpi eq, %iota3A, %eq3A_255 : vector<128x2048xi32>
    %jit3A_257 = arith.constant 0x7F800000 : f32
    %broadcast_in_dim3A_258 = vector.broadcast %jit3A_257 : f32 to vector<128x2048xf32>
    %select_n3A_259 = arith.select %eq3A_256, %broadcast_in_dim3A_258, %select_n3A_239 : vector<128x2048xi1>, vector<128x2048xf32>
    %slice3A_260 = vector.extract_strided_slice %get3A_4 {offsets = [0, 13], sizes = [128, 1], strides = [1, 1]} : vector<128x16xf32> to vector<128x1xf32>
    %eq3A_261 = vector.broadcast %slice3A_260 : vector<128x1xf32> to vector<128x2048xf32>
    %eq3A_262 = arith.cmpf oeq, %select_n3A_259, %eq3A_261 : vector<128x2048xf32>
    %jit3A_263 = arith.constant 2048 : i32
    %broadcast_in_dim3A_264 = vector.broadcast %jit3A_263 : i32 to vector<128x2048xi32>
    %select_n3A_265 = arith.select %eq3A_262, %iota3A, %broadcast_in_dim3A_264 : vector<128x2048xi1>, vector<128x2048xi32>
    %reduce_min3A_266 = arith.constant dense<2147483647> : vector<128xi32>
    %reduce_min3A_267 = vector.multi_reduction <minsi>, %select_n3A_265, %reduce_min3A_266 [1] : vector<128x2048xi32> to vector<128xi32>
    %broadcast_in_dim3A_268 = vector.shape_cast %reduce_min3A_267 : vector<128xi32> to vector<128x1xi32>
    %squeeze3A_269 = vector.shape_cast %broadcast_in_dim3A_268 : vector<128x1xi32> to vector<128xi32>
    %swap3A_270 = arith.constant 0 : index
    %swap3A_271 = arith.constant 13 : index
    %swap3A_272 = vector.load %arg4[%swap3A_270, %swap3A_271] : memref<128x16xi32, #tpu.memory_space<vmem>>, vector<128x1xi32>
    %swap3A_273 = vector.shape_cast %swap3A_272 : vector<128x1xi32> to vector<128xi32>
    %swap3A_274 = vector.shape_cast %squeeze3A_269 : vector<128xi32> to vector<128x1xi32>
    tpu.vector_store %arg4[%swap3A_270, %swap3A_271], %swap3A_274 {strides = array<i32>} : memref<128x16xi32, #tpu.memory_space<vmem>>, vector<128x1xi32>,
    %eq3A_275 = vector.broadcast %broadcast_in_dim3A_268 : vector<128x1xi32> to vector<128x2048xi32>
    %eq3A_276 = arith.cmpi eq, %iota3A, %eq3A_275 : vector<128x2048xi32>
    %jit3A_277 = arith.constant 0x7F800000 : f32
    %broadcast_in_dim3A_278 = vector.broadcast %jit3A_277 : f32 to vector<128x2048xf32>
    %select_n3A_279 = arith.select %eq3A_276, %broadcast_in_dim3A_278, %select_n3A_259 : vector<128x2048xi1>, vector<128x2048xf32>
    %slice3A_280 = vector.extract_strided_slice %get3A_4 {offsets = [0, 14], sizes = [128, 1], strides = [1, 1]} : vector<128x16xf32> to vector<128x1xf32>
    %eq3A_281 = vector.broadcast %slice3A_280 : vector<128x1xf32> to vector<128x2048xf32>
    %eq3A_282 = arith.cmpf oeq, %select_n3A_279, %eq3A_281 : vector<128x2048xf32>
    %jit3A_283 = arith.constant 2048 : i32
    %broadcast_in_dim3A_284 = vector.broadcast %jit3A_283 : i32 to vector<128x2048xi32>
    %select_n3A_285 = arith.select %eq3A_282, %iota3A, %broadcast_in_dim3A_284 : vector<128x2048xi1>, vector<128x2048xi32>
    %reduce_min3A_286 = arith.constant dense<2147483647> : vector<128xi32>
    %reduce_min3A_287 = vector.multi_reduction <minsi>, %select_n3A_285, %reduce_min3A_286 [1] : vector<128x2048xi32> to vector<128xi32>
    %broadcast_in_dim3A_288 = vector.shape_cast %reduce_min3A_287 : vector<128xi32> to vector<128x1xi32>
    %squeeze3A_289 = vector.shape_cast %broadcast_in_dim3A_288 : vector<128x1xi32> to vector<128xi32>
    %swap3A_290 = arith.constant 0 : index
    %swap3A_291 = arith.constant 14 : index
    %swap3A_292 = vector.load %arg4[%swap3A_290, %swap3A_291] : memref<128x16xi32, #tpu.memory_space<vmem>>, vector<128x1xi32>
    %swap3A_293 = vector.shape_cast %swap3A_292 : vector<128x1xi32> to vector<128xi32>
    %swap3A_294 = vector.shape_cast %squeeze3A_289 : vector<128xi32> to vector<128x1xi32>
    tpu.vector_store %arg4[%swap3A_290, %swap3A_291], %swap3A_294 {strides = array<i32>} : memref<128x16xi32, #tpu.memory_space<vmem>>, vector<128x1xi32>,
    %eq3A_295 = vector.broadcast %broadcast_in_dim3A_288 : vector<128x1xi32> to vector<128x2048xi32>
    %eq3A_296 = arith.cmpi eq, %iota3A, %eq3A_295 : vector<128x2048xi32>
    %jit3A_297 = arith.constant 0x7F800000 : f32
    %broadcast_in_dim3A_298 = vector.broadcast %jit3A_297 : f32 to vector<128x2048xf32>
    %select_n3A_299 = arith.select %eq3A_296, %broadcast_in_dim3A_298, %select_n3A_279 : vector<128x2048xi1>, vector<128x2048xf32>
    %slice3A_300 = vector.extract_strided_slice %get3A_4 {offsets = [0, 15], sizes = [128, 1], strides = [1, 1]} : vector<128x16xf32> to vector<128x1xf32>
    %eq3A_301 = vector.broadcast %slice3A_300 : vector<128x1xf32> to vector<128x2048xf32>
    %eq3A_302 = arith.cmpf oeq, %select_n3A_299, %eq3A_301 : vector<128x2048xf32>
    %jit3A_303 = arith.constant 2048 : i32
    %broadcast_in_dim3A_304 = vector.broadcast %jit3A_303 : i32 to vector<128x2048xi32>
    %select_n3A_305 = arith.select %eq3A_302, %iota3A, %broadcast_in_dim3A_304 : vector<128x2048xi1>, vector<128x2048xi32>
    %reduce_min3A_306 = arith.constant dense<2147483647> : vector<128xi32>
    %reduce_min3A_307 = vector.multi_reduction <minsi>, %select_n3A_305, %reduce_min3A_306 [1] : vector<128x2048xi32> to vector<128xi32>
    %broadcast_in_dim3A_308 = vector.shape_cast %reduce_min3A_307 : vector<128xi32> to vector<128x1xi32>
    %squeeze3A_309 = vector.shape_cast %broadcast_in_dim3A_308 : vector<128x1xi32> to vector<128xi32>
    %swap3A_310 = arith.constant 0 : index
    %swap3A_311 = arith.constant 15 : index
    %swap3A_312 = vector.load %arg4[%swap3A_310, %swap3A_311] : memref<128x16xi32, #tpu.memory_space<vmem>>, vector<128x1xi32>
    %swap3A_313 = vector.shape_cast %swap3A_312 : vector<128x1xi32> to vector<128xi32>
    %swap3A_314 = vector.shape_cast %squeeze3A_309 : vector<128xi32> to vector<128x1xi32>
    tpu.vector_store %arg4[%swap3A_310, %swap3A_311], %swap3A_314 {strides = array<i32>} : memref<128x16xi32, #tpu.memory_space<vmem>>, vector<128x1xi32>,
    return
  }
  func.func @transform_0(%arg0: i32) -> (i32, i32) {
    %c0_i32 = arith.constant 0 : i32
    %c0_i32_0 = arith.constant 0 : i32
    return %arg0, %c0_i32 : i32, i32
  }
  func.func @transform_1(%arg0: i32) -> (i32, i32) {
    %c0_i32 = arith.constant 0 : i32
    %c0_i32_0 = arith.constant 0 : i32
    return %arg0, %c0_i32 : i32, i32
  }
  func.func @transform_2(%arg0: i32) -> (i32, i32) {
    %c0_i32 = arith.constant 0 : i32
    %c0_i32_0 = arith.constant 0 : i32
    return %arg0, %c0_i32 : i32, i32
  }
  func.func @transform_3(%arg0: i32) -> (i32, i32) {
    %c0_i32 = arith.constant 0 : i32
    %c0_i32_0 = arith.constant 0 : i32
    return %arg0, %c0_i32 : i32, i32
  }
}

module attributes {stable_mosaic.version = 14 : i64} {
  func.func @_dist_kernel(%arg0: i32, %arg1: i32, %arg2: memref<128x32x3xf32, #tpu.memory_space<vmem>>, %arg3: memref<32x3x1024xf32, #tpu.memory_space<vmem>>, %arg4: memref<128x1024xf32, #tpu.memory_space<vmem>>) attributes {dimension_semantics = [#tpu.dimension_semantics<arbitrary>, #tpu.dimension_semantics<arbitrary>], iteration_bounds = array<i64: 4, 2>, scalar_prefetch = 0 : i64, scratch_operands = 0 : i64, tpu.core_type = #tpu.core_type<tc>, window_params = [{transform_indices = @transform_0, window_bounds = array<i64: 128, 32, 3>}, {transform_indices = @transform_1, window_bounds = array<i64: 32, 3, 1024>}, {transform_indices = @transform_2, window_bounds = array<i64: 128, 1024>}]} {
    %get3A = arith.constant 0 : index
    %get3A_0 = arith.constant 0 : index
    %get3A_1 = arith.constant 0 : index
    %get3A_2 = vector.load %arg2[%get3A, %get3A_0, %get3A_1] : memref<128x32x3xf32, #tpu.memory_space<vmem>>, vector<128x32x3xf32>
    %get3A_3 = arith.constant 0 : index
    %get3A_4 = arith.constant 0 : index
    %get3A_5 = arith.constant 0 : index
    %get3A_6 = vector.load %arg3[%get3A_3, %get3A_4, %get3A_5] : memref<32x3x1024xf32, #tpu.memory_space<vmem>>, vector<32x3x1024xf32>
    %slice3A = vector.extract_strided_slice %get3A_2 {offsets = [0, 0, 0], sizes = [128, 1, 3], strides = [1, 1, 1]} : vector<128x32x3xf32> to vector<128x1x3xf32>
    %squeeze3A = vector.shape_cast %slice3A : vector<128x1x3xf32> to vector<128x3xf32>
    %slice3A_7 = vector.extract_strided_slice %get3A_6 {offsets = [0, 0, 0], sizes = [1, 3, 1024], strides = [1, 1, 1]} : vector<32x3x1024xf32> to vector<1x3x1024xf32>
    %squeeze3A_8 = vector.shape_cast %slice3A_7 : vector<1x3x1024xf32> to vector<3x1024xf32>
    %mul3A = arith.mulf %squeeze3A, %squeeze3A : vector<128x3xf32>
    %reduce_sum3A = arith.constant dense<0.000000e+00> : vector<128xf32>
    %reduce_sum3A_9 = vector.multi_reduction <add>, %mul3A, %reduce_sum3A [1] : vector<128x3xf32> to vector<128xf32>
    %broadcast_in_dim3A = vector.shape_cast %reduce_sum3A_9 : vector<128xf32> to vector<128x1xf32>
    %mul3A_10 = arith.constant 2.500000e-01 : f32
    %mul3A_11 = vector.broadcast %mul3A_10 : f32 to vector<128x1xf32>
    %mul3A_12 = arith.mulf %mul3A_11, %broadcast_in_dim3A : vector<128x1xf32>
    %mul3A_13 = arith.mulf %squeeze3A_8, %squeeze3A_8 : vector<3x1024xf32>
    %reduce_sum3A_14 = arith.constant dense<0.000000e+00> : vector<1024xf32>
    %reduce_sum3A_15 = vector.multi_reduction <add>, %mul3A_13, %reduce_sum3A_14 [0] : vector<3x1024xf32> to vector<1024xf32>
    %broadcast_in_dim3A_16 = vector.shape_cast %reduce_sum3A_15 : vector<1024xf32> to vector<1x1024xf32>
    %dot_general3A = arith.constant dense<0.000000e+00> : vector<128x1024xf32>
    %dot_general3A_17 = tpu.matmul %squeeze3A, %squeeze3A_8, %dot_general3A {dimension_numbers = #tpu.dot_dimension_numbers<[1], [0], [0], [1], [0, 0, 1, 1], [], []>, transpose_lhs_hint = false} : vector<128x3xf32>, vector<3x1024xf32>, vector<128x1024xf32> -> vector<128x1024xf32>
    %add3A = vector.broadcast %mul3A_12 : vector<128x1xf32> to vector<128x1024xf32>
    %add3A_18 = vector.broadcast %broadcast_in_dim3A_16 : vector<1x1024xf32> to vector<128x1024xf32>
    %add3A_19 = arith.addf %add3A, %add3A_18 : vector<128x1024xf32>
    %add3A_20 = arith.addf %add3A_19, %dot_general3A_17 : vector<128x1024xf32>
    %slice3A_21 = vector.extract_strided_slice %get3A_2 {offsets = [0, 1, 0], sizes = [128, 1, 3], strides = [1, 1, 1]} : vector<128x32x3xf32> to vector<128x1x3xf32>
    %squeeze3A_22 = vector.shape_cast %slice3A_21 : vector<128x1x3xf32> to vector<128x3xf32>
    %slice3A_23 = vector.extract_strided_slice %get3A_6 {offsets = [1, 0, 0], sizes = [1, 3, 1024], strides = [1, 1, 1]} : vector<32x3x1024xf32> to vector<1x3x1024xf32>
    %squeeze3A_24 = vector.shape_cast %slice3A_23 : vector<1x3x1024xf32> to vector<3x1024xf32>
    %mul3A_25 = arith.mulf %squeeze3A_22, %squeeze3A_22 : vector<128x3xf32>
    %reduce_sum3A_26 = arith.constant dense<0.000000e+00> : vector<128xf32>
    %reduce_sum3A_27 = vector.multi_reduction <add>, %mul3A_25, %reduce_sum3A_26 [1] : vector<128x3xf32> to vector<128xf32>
    %broadcast_in_dim3A_28 = vector.shape_cast %reduce_sum3A_27 : vector<128xf32> to vector<128x1xf32>
    %mul3A_29 = arith.constant 2.500000e-01 : f32
    %mul3A_30 = vector.broadcast %mul3A_29 : f32 to vector<128x1xf32>
    %mul3A_31 = arith.mulf %mul3A_30, %broadcast_in_dim3A_28 : vector<128x1xf32>
    %mul3A_32 = arith.mulf %squeeze3A_24, %squeeze3A_24 : vector<3x1024xf32>
    %reduce_sum3A_33 = arith.constant dense<0.000000e+00> : vector<1024xf32>
    %reduce_sum3A_34 = vector.multi_reduction <add>, %mul3A_32, %reduce_sum3A_33 [0] : vector<3x1024xf32> to vector<1024xf32>
    %broadcast_in_dim3A_35 = vector.shape_cast %reduce_sum3A_34 : vector<1024xf32> to vector<1x1024xf32>
    %dot_general3A_36 = arith.constant dense<0.000000e+00> : vector<128x1024xf32>
    %dot_general3A_37 = tpu.matmul %squeeze3A_22, %squeeze3A_24, %dot_general3A_36 {dimension_numbers = #tpu.dot_dimension_numbers<[1], [0], [0], [1], [0, 0, 1, 1], [], []>, transpose_lhs_hint = false} : vector<128x3xf32>, vector<3x1024xf32>, vector<128x1024xf32> -> vector<128x1024xf32>
    %add3A_38 = vector.broadcast %mul3A_31 : vector<128x1xf32> to vector<128x1024xf32>
    %add3A_39 = vector.broadcast %broadcast_in_dim3A_35 : vector<1x1024xf32> to vector<128x1024xf32>
    %add3A_40 = arith.addf %add3A_38, %add3A_39 : vector<128x1024xf32>
    %add3A_41 = arith.addf %add3A_40, %dot_general3A_37 : vector<128x1024xf32>
    %slice3A_42 = vector.extract_strided_slice %get3A_2 {offsets = [0, 2, 0], sizes = [128, 1, 3], strides = [1, 1, 1]} : vector<128x32x3xf32> to vector<128x1x3xf32>
    %squeeze3A_43 = vector.shape_cast %slice3A_42 : vector<128x1x3xf32> to vector<128x3xf32>
    %slice3A_44 = vector.extract_strided_slice %get3A_6 {offsets = [2, 0, 0], sizes = [1, 3, 1024], strides = [1, 1, 1]} : vector<32x3x1024xf32> to vector<1x3x1024xf32>
    %squeeze3A_45 = vector.shape_cast %slice3A_44 : vector<1x3x1024xf32> to vector<3x1024xf32>
    %mul3A_46 = arith.mulf %squeeze3A_43, %squeeze3A_43 : vector<128x3xf32>
    %reduce_sum3A_47 = arith.constant dense<0.000000e+00> : vector<128xf32>
    %reduce_sum3A_48 = vector.multi_reduction <add>, %mul3A_46, %reduce_sum3A_47 [1] : vector<128x3xf32> to vector<128xf32>
    %broadcast_in_dim3A_49 = vector.shape_cast %reduce_sum3A_48 : vector<128xf32> to vector<128x1xf32>
    %mul3A_50 = arith.constant 2.500000e-01 : f32
    %mul3A_51 = vector.broadcast %mul3A_50 : f32 to vector<128x1xf32>
    %mul3A_52 = arith.mulf %mul3A_51, %broadcast_in_dim3A_49 : vector<128x1xf32>
    %mul3A_53 = arith.mulf %squeeze3A_45, %squeeze3A_45 : vector<3x1024xf32>
    %reduce_sum3A_54 = arith.constant dense<0.000000e+00> : vector<1024xf32>
    %reduce_sum3A_55 = vector.multi_reduction <add>, %mul3A_53, %reduce_sum3A_54 [0] : vector<3x1024xf32> to vector<1024xf32>
    %broadcast_in_dim3A_56 = vector.shape_cast %reduce_sum3A_55 : vector<1024xf32> to vector<1x1024xf32>
    %dot_general3A_57 = arith.constant dense<0.000000e+00> : vector<128x1024xf32>
    %dot_general3A_58 = tpu.matmul %squeeze3A_43, %squeeze3A_45, %dot_general3A_57 {dimension_numbers = #tpu.dot_dimension_numbers<[1], [0], [0], [1], [0, 0, 1, 1], [], []>, transpose_lhs_hint = false} : vector<128x3xf32>, vector<3x1024xf32>, vector<128x1024xf32> -> vector<128x1024xf32>
    %add3A_59 = vector.broadcast %mul3A_52 : vector<128x1xf32> to vector<128x1024xf32>
    %add3A_60 = vector.broadcast %broadcast_in_dim3A_56 : vector<1x1024xf32> to vector<128x1024xf32>
    %add3A_61 = arith.addf %add3A_59, %add3A_60 : vector<128x1024xf32>
    %add3A_62 = arith.addf %add3A_61, %dot_general3A_58 : vector<128x1024xf32>
    %slice3A_63 = vector.extract_strided_slice %get3A_2 {offsets = [0, 3, 0], sizes = [128, 1, 3], strides = [1, 1, 1]} : vector<128x32x3xf32> to vector<128x1x3xf32>
    %squeeze3A_64 = vector.shape_cast %slice3A_63 : vector<128x1x3xf32> to vector<128x3xf32>
    %slice3A_65 = vector.extract_strided_slice %get3A_6 {offsets = [3, 0, 0], sizes = [1, 3, 1024], strides = [1, 1, 1]} : vector<32x3x1024xf32> to vector<1x3x1024xf32>
    %squeeze3A_66 = vector.shape_cast %slice3A_65 : vector<1x3x1024xf32> to vector<3x1024xf32>
    %mul3A_67 = arith.mulf %squeeze3A_64, %squeeze3A_64 : vector<128x3xf32>
    %reduce_sum3A_68 = arith.constant dense<0.000000e+00> : vector<128xf32>
    %reduce_sum3A_69 = vector.multi_reduction <add>, %mul3A_67, %reduce_sum3A_68 [1] : vector<128x3xf32> to vector<128xf32>
    %broadcast_in_dim3A_70 = vector.shape_cast %reduce_sum3A_69 : vector<128xf32> to vector<128x1xf32>
    %mul3A_71 = arith.constant 2.500000e-01 : f32
    %mul3A_72 = vector.broadcast %mul3A_71 : f32 to vector<128x1xf32>
    %mul3A_73 = arith.mulf %mul3A_72, %broadcast_in_dim3A_70 : vector<128x1xf32>
    %mul3A_74 = arith.mulf %squeeze3A_66, %squeeze3A_66 : vector<3x1024xf32>
    %reduce_sum3A_75 = arith.constant dense<0.000000e+00> : vector<1024xf32>
    %reduce_sum3A_76 = vector.multi_reduction <add>, %mul3A_74, %reduce_sum3A_75 [0] : vector<3x1024xf32> to vector<1024xf32>
    %broadcast_in_dim3A_77 = vector.shape_cast %reduce_sum3A_76 : vector<1024xf32> to vector<1x1024xf32>
    %dot_general3A_78 = arith.constant dense<0.000000e+00> : vector<128x1024xf32>
    %dot_general3A_79 = tpu.matmul %squeeze3A_64, %squeeze3A_66, %dot_general3A_78 {dimension_numbers = #tpu.dot_dimension_numbers<[1], [0], [0], [1], [0, 0, 1, 1], [], []>, transpose_lhs_hint = false} : vector<128x3xf32>, vector<3x1024xf32>, vector<128x1024xf32> -> vector<128x1024xf32>
    %add3A_80 = vector.broadcast %mul3A_73 : vector<128x1xf32> to vector<128x1024xf32>
    %add3A_81 = vector.broadcast %broadcast_in_dim3A_77 : vector<1x1024xf32> to vector<128x1024xf32>
    %add3A_82 = arith.addf %add3A_80, %add3A_81 : vector<128x1024xf32>
    %add3A_83 = arith.addf %add3A_82, %dot_general3A_79 : vector<128x1024xf32>
    %slice3A_84 = vector.extract_strided_slice %get3A_2 {offsets = [0, 4, 0], sizes = [128, 1, 3], strides = [1, 1, 1]} : vector<128x32x3xf32> to vector<128x1x3xf32>
    %squeeze3A_85 = vector.shape_cast %slice3A_84 : vector<128x1x3xf32> to vector<128x3xf32>
    %slice3A_86 = vector.extract_strided_slice %get3A_6 {offsets = [4, 0, 0], sizes = [1, 3, 1024], strides = [1, 1, 1]} : vector<32x3x1024xf32> to vector<1x3x1024xf32>
    %squeeze3A_87 = vector.shape_cast %slice3A_86 : vector<1x3x1024xf32> to vector<3x1024xf32>
    %mul3A_88 = arith.mulf %squeeze3A_85, %squeeze3A_85 : vector<128x3xf32>
    %reduce_sum3A_89 = arith.constant dense<0.000000e+00> : vector<128xf32>
    %reduce_sum3A_90 = vector.multi_reduction <add>, %mul3A_88, %reduce_sum3A_89 [1] : vector<128x3xf32> to vector<128xf32>
    %broadcast_in_dim3A_91 = vector.shape_cast %reduce_sum3A_90 : vector<128xf32> to vector<128x1xf32>
    %mul3A_92 = arith.constant 2.500000e-01 : f32
    %mul3A_93 = vector.broadcast %mul3A_92 : f32 to vector<128x1xf32>
    %mul3A_94 = arith.mulf %mul3A_93, %broadcast_in_dim3A_91 : vector<128x1xf32>
    %mul3A_95 = arith.mulf %squeeze3A_87, %squeeze3A_87 : vector<3x1024xf32>
    %reduce_sum3A_96 = arith.constant dense<0.000000e+00> : vector<1024xf32>
    %reduce_sum3A_97 = vector.multi_reduction <add>, %mul3A_95, %reduce_sum3A_96 [0] : vector<3x1024xf32> to vector<1024xf32>
    %broadcast_in_dim3A_98 = vector.shape_cast %reduce_sum3A_97 : vector<1024xf32> to vector<1x1024xf32>
    %dot_general3A_99 = arith.constant dense<0.000000e+00> : vector<128x1024xf32>
    %dot_general3A_100 = tpu.matmul %squeeze3A_85, %squeeze3A_87, %dot_general3A_99 {dimension_numbers = #tpu.dot_dimension_numbers<[1], [0], [0], [1], [0, 0, 1, 1], [], []>, transpose_lhs_hint = false} : vector<128x3xf32>, vector<3x1024xf32>, vector<128x1024xf32> -> vector<128x1024xf32>
    %add3A_101 = vector.broadcast %mul3A_94 : vector<128x1xf32> to vector<128x1024xf32>
    %add3A_102 = vector.broadcast %broadcast_in_dim3A_98 : vector<1x1024xf32> to vector<128x1024xf32>
    %add3A_103 = arith.addf %add3A_101, %add3A_102 : vector<128x1024xf32>
    %add3A_104 = arith.addf %add3A_103, %dot_general3A_100 : vector<128x1024xf32>
    %slice3A_105 = vector.extract_strided_slice %get3A_2 {offsets = [0, 5, 0], sizes = [128, 1, 3], strides = [1, 1, 1]} : vector<128x32x3xf32> to vector<128x1x3xf32>
    %squeeze3A_106 = vector.shape_cast %slice3A_105 : vector<128x1x3xf32> to vector<128x3xf32>
    %slice3A_107 = vector.extract_strided_slice %get3A_6 {offsets = [5, 0, 0], sizes = [1, 3, 1024], strides = [1, 1, 1]} : vector<32x3x1024xf32> to vector<1x3x1024xf32>
    %squeeze3A_108 = vector.shape_cast %slice3A_107 : vector<1x3x1024xf32> to vector<3x1024xf32>
    %mul3A_109 = arith.mulf %squeeze3A_106, %squeeze3A_106 : vector<128x3xf32>
    %reduce_sum3A_110 = arith.constant dense<0.000000e+00> : vector<128xf32>
    %reduce_sum3A_111 = vector.multi_reduction <add>, %mul3A_109, %reduce_sum3A_110 [1] : vector<128x3xf32> to vector<128xf32>
    %broadcast_in_dim3A_112 = vector.shape_cast %reduce_sum3A_111 : vector<128xf32> to vector<128x1xf32>
    %mul3A_113 = arith.constant 2.500000e-01 : f32
    %mul3A_114 = vector.broadcast %mul3A_113 : f32 to vector<128x1xf32>
    %mul3A_115 = arith.mulf %mul3A_114, %broadcast_in_dim3A_112 : vector<128x1xf32>
    %mul3A_116 = arith.mulf %squeeze3A_108, %squeeze3A_108 : vector<3x1024xf32>
    %reduce_sum3A_117 = arith.constant dense<0.000000e+00> : vector<1024xf32>
    %reduce_sum3A_118 = vector.multi_reduction <add>, %mul3A_116, %reduce_sum3A_117 [0] : vector<3x1024xf32> to vector<1024xf32>
    %broadcast_in_dim3A_119 = vector.shape_cast %reduce_sum3A_118 : vector<1024xf32> to vector<1x1024xf32>
    %dot_general3A_120 = arith.constant dense<0.000000e+00> : vector<128x1024xf32>
    %dot_general3A_121 = tpu.matmul %squeeze3A_106, %squeeze3A_108, %dot_general3A_120 {dimension_numbers = #tpu.dot_dimension_numbers<[1], [0], [0], [1], [0, 0, 1, 1], [], []>, transpose_lhs_hint = false} : vector<128x3xf32>, vector<3x1024xf32>, vector<128x1024xf32> -> vector<128x1024xf32>
    %add3A_122 = vector.broadcast %mul3A_115 : vector<128x1xf32> to vector<128x1024xf32>
    %add3A_123 = vector.broadcast %broadcast_in_dim3A_119 : vector<1x1024xf32> to vector<128x1024xf32>
    %add3A_124 = arith.addf %add3A_122, %add3A_123 : vector<128x1024xf32>
    %add3A_125 = arith.addf %add3A_124, %dot_general3A_121 : vector<128x1024xf32>
    %slice3A_126 = vector.extract_strided_slice %get3A_2 {offsets = [0, 6, 0], sizes = [128, 1, 3], strides = [1, 1, 1]} : vector<128x32x3xf32> to vector<128x1x3xf32>
    %squeeze3A_127 = vector.shape_cast %slice3A_126 : vector<128x1x3xf32> to vector<128x3xf32>
    %slice3A_128 = vector.extract_strided_slice %get3A_6 {offsets = [6, 0, 0], sizes = [1, 3, 1024], strides = [1, 1, 1]} : vector<32x3x1024xf32> to vector<1x3x1024xf32>
    %squeeze3A_129 = vector.shape_cast %slice3A_128 : vector<1x3x1024xf32> to vector<3x1024xf32>
    %mul3A_130 = arith.mulf %squeeze3A_127, %squeeze3A_127 : vector<128x3xf32>
    %reduce_sum3A_131 = arith.constant dense<0.000000e+00> : vector<128xf32>
    %reduce_sum3A_132 = vector.multi_reduction <add>, %mul3A_130, %reduce_sum3A_131 [1] : vector<128x3xf32> to vector<128xf32>
    %broadcast_in_dim3A_133 = vector.shape_cast %reduce_sum3A_132 : vector<128xf32> to vector<128x1xf32>
    %mul3A_134 = arith.constant 2.500000e-01 : f32
    %mul3A_135 = vector.broadcast %mul3A_134 : f32 to vector<128x1xf32>
    %mul3A_136 = arith.mulf %mul3A_135, %broadcast_in_dim3A_133 : vector<128x1xf32>
    %mul3A_137 = arith.mulf %squeeze3A_129, %squeeze3A_129 : vector<3x1024xf32>
    %reduce_sum3A_138 = arith.constant dense<0.000000e+00> : vector<1024xf32>
    %reduce_sum3A_139 = vector.multi_reduction <add>, %mul3A_137, %reduce_sum3A_138 [0] : vector<3x1024xf32> to vector<1024xf32>
    %broadcast_in_dim3A_140 = vector.shape_cast %reduce_sum3A_139 : vector<1024xf32> to vector<1x1024xf32>
    %dot_general3A_141 = arith.constant dense<0.000000e+00> : vector<128x1024xf32>
    %dot_general3A_142 = tpu.matmul %squeeze3A_127, %squeeze3A_129, %dot_general3A_141 {dimension_numbers = #tpu.dot_dimension_numbers<[1], [0], [0], [1], [0, 0, 1, 1], [], []>, transpose_lhs_hint = false} : vector<128x3xf32>, vector<3x1024xf32>, vector<128x1024xf32> -> vector<128x1024xf32>
    %add3A_143 = vector.broadcast %mul3A_136 : vector<128x1xf32> to vector<128x1024xf32>
    %add3A_144 = vector.broadcast %broadcast_in_dim3A_140 : vector<1x1024xf32> to vector<128x1024xf32>
    %add3A_145 = arith.addf %add3A_143, %add3A_144 : vector<128x1024xf32>
    %add3A_146 = arith.addf %add3A_145, %dot_general3A_142 : vector<128x1024xf32>
    %slice3A_147 = vector.extract_strided_slice %get3A_2 {offsets = [0, 7, 0], sizes = [128, 1, 3], strides = [1, 1, 1]} : vector<128x32x3xf32> to vector<128x1x3xf32>
    %squeeze3A_148 = vector.shape_cast %slice3A_147 : vector<128x1x3xf32> to vector<128x3xf32>
    %slice3A_149 = vector.extract_strided_slice %get3A_6 {offsets = [7, 0, 0], sizes = [1, 3, 1024], strides = [1, 1, 1]} : vector<32x3x1024xf32> to vector<1x3x1024xf32>
    %squeeze3A_150 = vector.shape_cast %slice3A_149 : vector<1x3x1024xf32> to vector<3x1024xf32>
    %mul3A_151 = arith.mulf %squeeze3A_148, %squeeze3A_148 : vector<128x3xf32>
    %reduce_sum3A_152 = arith.constant dense<0.000000e+00> : vector<128xf32>
    %reduce_sum3A_153 = vector.multi_reduction <add>, %mul3A_151, %reduce_sum3A_152 [1] : vector<128x3xf32> to vector<128xf32>
    %broadcast_in_dim3A_154 = vector.shape_cast %reduce_sum3A_153 : vector<128xf32> to vector<128x1xf32>
    %mul3A_155 = arith.constant 2.500000e-01 : f32
    %mul3A_156 = vector.broadcast %mul3A_155 : f32 to vector<128x1xf32>
    %mul3A_157 = arith.mulf %mul3A_156, %broadcast_in_dim3A_154 : vector<128x1xf32>
    %mul3A_158 = arith.mulf %squeeze3A_150, %squeeze3A_150 : vector<3x1024xf32>
    %reduce_sum3A_159 = arith.constant dense<0.000000e+00> : vector<1024xf32>
    %reduce_sum3A_160 = vector.multi_reduction <add>, %mul3A_158, %reduce_sum3A_159 [0] : vector<3x1024xf32> to vector<1024xf32>
    %broadcast_in_dim3A_161 = vector.shape_cast %reduce_sum3A_160 : vector<1024xf32> to vector<1x1024xf32>
    %dot_general3A_162 = arith.constant dense<0.000000e+00> : vector<128x1024xf32>
    %dot_general3A_163 = tpu.matmul %squeeze3A_148, %squeeze3A_150, %dot_general3A_162 {dimension_numbers = #tpu.dot_dimension_numbers<[1], [0], [0], [1], [0, 0, 1, 1], [], []>, transpose_lhs_hint = false} : vector<128x3xf32>, vector<3x1024xf32>, vector<128x1024xf32> -> vector<128x1024xf32>
    %add3A_164 = vector.broadcast %mul3A_157 : vector<128x1xf32> to vector<128x1024xf32>
    %add3A_165 = vector.broadcast %broadcast_in_dim3A_161 : vector<1x1024xf32> to vector<128x1024xf32>
    %add3A_166 = arith.addf %add3A_164, %add3A_165 : vector<128x1024xf32>
    %add3A_167 = arith.addf %add3A_166, %dot_general3A_163 : vector<128x1024xf32>
    %max3A = arith.maximumf %add3A_20, %add3A_41 : vector<128x1024xf32>
    %min3A = arith.minimumf %add3A_20, %add3A_41 : vector<128x1024xf32>
    %max3A_168 = arith.maximumf %add3A_62, %add3A_83 : vector<128x1024xf32>
    %min3A_169 = arith.minimumf %add3A_62, %add3A_83 : vector<128x1024xf32>
    %max3A_170 = arith.maximumf %add3A_104, %add3A_125 : vector<128x1024xf32>
    %min3A_171 = arith.minimumf %add3A_104, %add3A_125 : vector<128x1024xf32>
    %max3A_172 = arith.maximumf %add3A_146, %add3A_167 : vector<128x1024xf32>
    %min3A_173 = arith.minimumf %add3A_146, %add3A_167 : vector<128x1024xf32>
    %max3A_174 = arith.maximumf %max3A, %max3A_168 : vector<128x1024xf32>
    %min3A_175 = arith.minimumf %max3A, %max3A_168 : vector<128x1024xf32>
    %max3A_176 = arith.maximumf %min3A, %min3A_169 : vector<128x1024xf32>
    %min3A_177 = arith.minimumf %min3A, %min3A_169 : vector<128x1024xf32>
    %max3A_178 = arith.maximumf %max3A_170, %max3A_172 : vector<128x1024xf32>
    %min3A_179 = arith.minimumf %max3A_170, %max3A_172 : vector<128x1024xf32>
    %max3A_180 = arith.maximumf %min3A_171, %min3A_173 : vector<128x1024xf32>
    %min3A_181 = arith.minimumf %min3A_171, %min3A_173 : vector<128x1024xf32>
    %max3A_182 = arith.maximumf %max3A_176, %min3A_175 : vector<128x1024xf32>
    %min3A_183 = arith.minimumf %max3A_176, %min3A_175 : vector<128x1024xf32>
    %max3A_184 = arith.maximumf %max3A_180, %min3A_179 : vector<128x1024xf32>
    %min3A_185 = arith.minimumf %max3A_180, %min3A_179 : vector<128x1024xf32>
    %max3A_186 = arith.maximumf %max3A_174, %max3A_178 : vector<128x1024xf32>
    %min3A_187 = arith.minimumf %max3A_174, %max3A_178 : vector<128x1024xf32>
    %max3A_188 = arith.maximumf %min3A_177, %min3A_181 : vector<128x1024xf32>
    %min3A_189 = arith.minimumf %min3A_177, %min3A_181 : vector<128x1024xf32>
    %max3A_190 = arith.maximumf %max3A_182, %max3A_184 : vector<128x1024xf32>
    %min3A_191 = arith.minimumf %max3A_182, %max3A_184 : vector<128x1024xf32>
    %max3A_192 = arith.maximumf %min3A_183, %min3A_185 : vector<128x1024xf32>
    %min3A_193 = arith.minimumf %min3A_183, %min3A_185 : vector<128x1024xf32>
    %max3A_194 = arith.maximumf %max3A_190, %min3A_187 : vector<128x1024xf32>
    %min3A_195 = arith.minimumf %max3A_190, %min3A_187 : vector<128x1024xf32>
    %max3A_196 = arith.maximumf %max3A_188, %min3A_193 : vector<128x1024xf32>
    %min3A_197 = arith.minimumf %max3A_188, %min3A_193 : vector<128x1024xf32>
    %max3A_198 = arith.maximumf %max3A_192, %min3A_195 : vector<128x1024xf32>
    %min3A_199 = arith.minimumf %max3A_192, %min3A_195 : vector<128x1024xf32>
    %max3A_200 = arith.maximumf %max3A_196, %min3A_191 : vector<128x1024xf32>
    %min3A_201 = arith.minimumf %max3A_196, %min3A_191 : vector<128x1024xf32>
    %max3A_202 = arith.maximumf %max3A_200, %min3A_199 : vector<128x1024xf32>
    %min3A_203 = arith.minimumf %max3A_200, %min3A_199 : vector<128x1024xf32>
    %slice3A_204 = vector.extract_strided_slice %get3A_2 {offsets = [0, 8, 0], sizes = [128, 1, 3], strides = [1, 1, 1]} : vector<128x32x3xf32> to vector<128x1x3xf32>
    %squeeze3A_205 = vector.shape_cast %slice3A_204 : vector<128x1x3xf32> to vector<128x3xf32>
    %slice3A_206 = vector.extract_strided_slice %get3A_6 {offsets = [8, 0, 0], sizes = [1, 3, 1024], strides = [1, 1, 1]} : vector<32x3x1024xf32> to vector<1x3x1024xf32>
    %squeeze3A_207 = vector.shape_cast %slice3A_206 : vector<1x3x1024xf32> to vector<3x1024xf32>
    %mul3A_208 = arith.mulf %squeeze3A_205, %squeeze3A_205 : vector<128x3xf32>
    %reduce_sum3A_209 = arith.constant dense<0.000000e+00> : vector<128xf32>
    %reduce_sum3A_210 = vector.multi_reduction <add>, %mul3A_208, %reduce_sum3A_209 [1] : vector<128x3xf32> to vector<128xf32>
    %broadcast_in_dim3A_211 = vector.shape_cast %reduce_sum3A_210 : vector<128xf32> to vector<128x1xf32>
    %mul3A_212 = arith.constant 2.500000e-01 : f32
    %mul3A_213 = vector.broadcast %mul3A_212 : f32 to vector<128x1xf32>
    %mul3A_214 = arith.mulf %mul3A_213, %broadcast_in_dim3A_211 : vector<128x1xf32>
    %mul3A_215 = arith.mulf %squeeze3A_207, %squeeze3A_207 : vector<3x1024xf32>
    %reduce_sum3A_216 = arith.constant dense<0.000000e+00> : vector<1024xf32>
    %reduce_sum3A_217 = vector.multi_reduction <add>, %mul3A_215, %reduce_sum3A_216 [0] : vector<3x1024xf32> to vector<1024xf32>
    %broadcast_in_dim3A_218 = vector.shape_cast %reduce_sum3A_217 : vector<1024xf32> to vector<1x1024xf32>
    %dot_general3A_219 = arith.constant dense<0.000000e+00> : vector<128x1024xf32>
    %dot_general3A_220 = tpu.matmul %squeeze3A_205, %squeeze3A_207, %dot_general3A_219 {dimension_numbers = #tpu.dot_dimension_numbers<[1], [0], [0], [1], [0, 0, 1, 1], [], []>, transpose_lhs_hint = false} : vector<128x3xf32>, vector<3x1024xf32>, vector<128x1024xf32> -> vector<128x1024xf32>
    %add3A_221 = vector.broadcast %mul3A_214 : vector<128x1xf32> to vector<128x1024xf32>
    %add3A_222 = vector.broadcast %broadcast_in_dim3A_218 : vector<1x1024xf32> to vector<128x1024xf32>
    %add3A_223 = arith.addf %add3A_221, %add3A_222 : vector<128x1024xf32>
    %add3A_224 = arith.addf %add3A_223, %dot_general3A_220 : vector<128x1024xf32>
    %slice3A_225 = vector.extract_strided_slice %get3A_2 {offsets = [0, 9, 0], sizes = [128, 1, 3], strides = [1, 1, 1]} : vector<128x32x3xf32> to vector<128x1x3xf32>
    %squeeze3A_226 = vector.shape_cast %slice3A_225 : vector<128x1x3xf32> to vector<128x3xf32>
    %slice3A_227 = vector.extract_strided_slice %get3A_6 {offsets = [9, 0, 0], sizes = [1, 3, 1024], strides = [1, 1, 1]} : vector<32x3x1024xf32> to vector<1x3x1024xf32>
    %squeeze3A_228 = vector.shape_cast %slice3A_227 : vector<1x3x1024xf32> to vector<3x1024xf32>
    %mul3A_229 = arith.mulf %squeeze3A_226, %squeeze3A_226 : vector<128x3xf32>
    %reduce_sum3A_230 = arith.constant dense<0.000000e+00> : vector<128xf32>
    %reduce_sum3A_231 = vector.multi_reduction <add>, %mul3A_229, %reduce_sum3A_230 [1] : vector<128x3xf32> to vector<128xf32>
    %broadcast_in_dim3A_232 = vector.shape_cast %reduce_sum3A_231 : vector<128xf32> to vector<128x1xf32>
    %mul3A_233 = arith.constant 2.500000e-01 : f32
    %mul3A_234 = vector.broadcast %mul3A_233 : f32 to vector<128x1xf32>
    %mul3A_235 = arith.mulf %mul3A_234, %broadcast_in_dim3A_232 : vector<128x1xf32>
    %mul3A_236 = arith.mulf %squeeze3A_228, %squeeze3A_228 : vector<3x1024xf32>
    %reduce_sum3A_237 = arith.constant dense<0.000000e+00> : vector<1024xf32>
    %reduce_sum3A_238 = vector.multi_reduction <add>, %mul3A_236, %reduce_sum3A_237 [0] : vector<3x1024xf32> to vector<1024xf32>
    %broadcast_in_dim3A_239 = vector.shape_cast %reduce_sum3A_238 : vector<1024xf32> to vector<1x1024xf32>
    %dot_general3A_240 = arith.constant dense<0.000000e+00> : vector<128x1024xf32>
    %dot_general3A_241 = tpu.matmul %squeeze3A_226, %squeeze3A_228, %dot_general3A_240 {dimension_numbers = #tpu.dot_dimension_numbers<[1], [0], [0], [1], [0, 0, 1, 1], [], []>, transpose_lhs_hint = false} : vector<128x3xf32>, vector<3x1024xf32>, vector<128x1024xf32> -> vector<128x1024xf32>
    %add3A_242 = vector.broadcast %mul3A_235 : vector<128x1xf32> to vector<128x1024xf32>
    %add3A_243 = vector.broadcast %broadcast_in_dim3A_239 : vector<1x1024xf32> to vector<128x1024xf32>
    %add3A_244 = arith.addf %add3A_242, %add3A_243 : vector<128x1024xf32>
    %add3A_245 = arith.addf %add3A_244, %dot_general3A_241 : vector<128x1024xf32>
    %slice3A_246 = vector.extract_strided_slice %get3A_2 {offsets = [0, 10, 0], sizes = [128, 1, 3], strides = [1, 1, 1]} : vector<128x32x3xf32> to vector<128x1x3xf32>
    %squeeze3A_247 = vector.shape_cast %slice3A_246 : vector<128x1x3xf32> to vector<128x3xf32>
    %slice3A_248 = vector.extract_strided_slice %get3A_6 {offsets = [10, 0, 0], sizes = [1, 3, 1024], strides = [1, 1, 1]} : vector<32x3x1024xf32> to vector<1x3x1024xf32>
    %squeeze3A_249 = vector.shape_cast %slice3A_248 : vector<1x3x1024xf32> to vector<3x1024xf32>
    %mul3A_250 = arith.mulf %squeeze3A_247, %squeeze3A_247 : vector<128x3xf32>
    %reduce_sum3A_251 = arith.constant dense<0.000000e+00> : vector<128xf32>
    %reduce_sum3A_252 = vector.multi_reduction <add>, %mul3A_250, %reduce_sum3A_251 [1] : vector<128x3xf32> to vector<128xf32>
    %broadcast_in_dim3A_253 = vector.shape_cast %reduce_sum3A_252 : vector<128xf32> to vector<128x1xf32>
    %mul3A_254 = arith.constant 2.500000e-01 : f32
    %mul3A_255 = vector.broadcast %mul3A_254 : f32 to vector<128x1xf32>
    %mul3A_256 = arith.mulf %mul3A_255, %broadcast_in_dim3A_253 : vector<128x1xf32>
    %mul3A_257 = arith.mulf %squeeze3A_249, %squeeze3A_249 : vector<3x1024xf32>
    %reduce_sum3A_258 = arith.constant dense<0.000000e+00> : vector<1024xf32>
    %reduce_sum3A_259 = vector.multi_reduction <add>, %mul3A_257, %reduce_sum3A_258 [0] : vector<3x1024xf32> to vector<1024xf32>
    %broadcast_in_dim3A_260 = vector.shape_cast %reduce_sum3A_259 : vector<1024xf32> to vector<1x1024xf32>
    %dot_general3A_261 = arith.constant dense<0.000000e+00> : vector<128x1024xf32>
    %dot_general3A_262 = tpu.matmul %squeeze3A_247, %squeeze3A_249, %dot_general3A_261 {dimension_numbers = #tpu.dot_dimension_numbers<[1], [0], [0], [1], [0, 0, 1, 1], [], []>, transpose_lhs_hint = false} : vector<128x3xf32>, vector<3x1024xf32>, vector<128x1024xf32> -> vector<128x1024xf32>
    %add3A_263 = vector.broadcast %mul3A_256 : vector<128x1xf32> to vector<128x1024xf32>
    %add3A_264 = vector.broadcast %broadcast_in_dim3A_260 : vector<1x1024xf32> to vector<128x1024xf32>
    %add3A_265 = arith.addf %add3A_263, %add3A_264 : vector<128x1024xf32>
    %add3A_266 = arith.addf %add3A_265, %dot_general3A_262 : vector<128x1024xf32>
    %slice3A_267 = vector.extract_strided_slice %get3A_2 {offsets = [0, 11, 0], sizes = [128, 1, 3], strides = [1, 1, 1]} : vector<128x32x3xf32> to vector<128x1x3xf32>
    %squeeze3A_268 = vector.shape_cast %slice3A_267 : vector<128x1x3xf32> to vector<128x3xf32>
    %slice3A_269 = vector.extract_strided_slice %get3A_6 {offsets = [11, 0, 0], sizes = [1, 3, 1024], strides = [1, 1, 1]} : vector<32x3x1024xf32> to vector<1x3x1024xf32>
    %squeeze3A_270 = vector.shape_cast %slice3A_269 : vector<1x3x1024xf32> to vector<3x1024xf32>
    %mul3A_271 = arith.mulf %squeeze3A_268, %squeeze3A_268 : vector<128x3xf32>
    %reduce_sum3A_272 = arith.constant dense<0.000000e+00> : vector<128xf32>
    %reduce_sum3A_273 = vector.multi_reduction <add>, %mul3A_271, %reduce_sum3A_272 [1] : vector<128x3xf32> to vector<128xf32>
    %broadcast_in_dim3A_274 = vector.shape_cast %reduce_sum3A_273 : vector<128xf32> to vector<128x1xf32>
    %mul3A_275 = arith.constant 2.500000e-01 : f32
    %mul3A_276 = vector.broadcast %mul3A_275 : f32 to vector<128x1xf32>
    %mul3A_277 = arith.mulf %mul3A_276, %broadcast_in_dim3A_274 : vector<128x1xf32>
    %mul3A_278 = arith.mulf %squeeze3A_270, %squeeze3A_270 : vector<3x1024xf32>
    %reduce_sum3A_279 = arith.constant dense<0.000000e+00> : vector<1024xf32>
    %reduce_sum3A_280 = vector.multi_reduction <add>, %mul3A_278, %reduce_sum3A_279 [0] : vector<3x1024xf32> to vector<1024xf32>
    %broadcast_in_dim3A_281 = vector.shape_cast %reduce_sum3A_280 : vector<1024xf32> to vector<1x1024xf32>
    %dot_general3A_282 = arith.constant dense<0.000000e+00> : vector<128x1024xf32>
    %dot_general3A_283 = tpu.matmul %squeeze3A_268, %squeeze3A_270, %dot_general3A_282 {dimension_numbers = #tpu.dot_dimension_numbers<[1], [0], [0], [1], [0, 0, 1, 1], [], []>, transpose_lhs_hint = false} : vector<128x3xf32>, vector<3x1024xf32>, vector<128x1024xf32> -> vector<128x1024xf32>
    %add3A_284 = vector.broadcast %mul3A_277 : vector<128x1xf32> to vector<128x1024xf32>
    %add3A_285 = vector.broadcast %broadcast_in_dim3A_281 : vector<1x1024xf32> to vector<128x1024xf32>
    %add3A_286 = arith.addf %add3A_284, %add3A_285 : vector<128x1024xf32>
    %add3A_287 = arith.addf %add3A_286, %dot_general3A_283 : vector<128x1024xf32>
    %slice3A_288 = vector.extract_strided_slice %get3A_2 {offsets = [0, 12, 0], sizes = [128, 1, 3], strides = [1, 1, 1]} : vector<128x32x3xf32> to vector<128x1x3xf32>
    %squeeze3A_289 = vector.shape_cast %slice3A_288 : vector<128x1x3xf32> to vector<128x3xf32>
    %slice3A_290 = vector.extract_strided_slice %get3A_6 {offsets = [12, 0, 0], sizes = [1, 3, 1024], strides = [1, 1, 1]} : vector<32x3x1024xf32> to vector<1x3x1024xf32>
    %squeeze3A_291 = vector.shape_cast %slice3A_290 : vector<1x3x1024xf32> to vector<3x1024xf32>
    %mul3A_292 = arith.mulf %squeeze3A_289, %squeeze3A_289 : vector<128x3xf32>
    %reduce_sum3A_293 = arith.constant dense<0.000000e+00> : vector<128xf32>
    %reduce_sum3A_294 = vector.multi_reduction <add>, %mul3A_292, %reduce_sum3A_293 [1] : vector<128x3xf32> to vector<128xf32>
    %broadcast_in_dim3A_295 = vector.shape_cast %reduce_sum3A_294 : vector<128xf32> to vector<128x1xf32>
    %mul3A_296 = arith.constant 2.500000e-01 : f32
    %mul3A_297 = vector.broadcast %mul3A_296 : f32 to vector<128x1xf32>
    %mul3A_298 = arith.mulf %mul3A_297, %broadcast_in_dim3A_295 : vector<128x1xf32>
    %mul3A_299 = arith.mulf %squeeze3A_291, %squeeze3A_291 : vector<3x1024xf32>
    %reduce_sum3A_300 = arith.constant dense<0.000000e+00> : vector<1024xf32>
    %reduce_sum3A_301 = vector.multi_reduction <add>, %mul3A_299, %reduce_sum3A_300 [0] : vector<3x1024xf32> to vector<1024xf32>
    %broadcast_in_dim3A_302 = vector.shape_cast %reduce_sum3A_301 : vector<1024xf32> to vector<1x1024xf32>
    %dot_general3A_303 = arith.constant dense<0.000000e+00> : vector<128x1024xf32>
    %dot_general3A_304 = tpu.matmul %squeeze3A_289, %squeeze3A_291, %dot_general3A_303 {dimension_numbers = #tpu.dot_dimension_numbers<[1], [0], [0], [1], [0, 0, 1, 1], [], []>, transpose_lhs_hint = false} : vector<128x3xf32>, vector<3x1024xf32>, vector<128x1024xf32> -> vector<128x1024xf32>
    %add3A_305 = vector.broadcast %mul3A_298 : vector<128x1xf32> to vector<128x1024xf32>
    %add3A_306 = vector.broadcast %broadcast_in_dim3A_302 : vector<1x1024xf32> to vector<128x1024xf32>
    %add3A_307 = arith.addf %add3A_305, %add3A_306 : vector<128x1024xf32>
    %add3A_308 = arith.addf %add3A_307, %dot_general3A_304 : vector<128x1024xf32>
    %slice3A_309 = vector.extract_strided_slice %get3A_2 {offsets = [0, 13, 0], sizes = [128, 1, 3], strides = [1, 1, 1]} : vector<128x32x3xf32> to vector<128x1x3xf32>
    %squeeze3A_310 = vector.shape_cast %slice3A_309 : vector<128x1x3xf32> to vector<128x3xf32>
    %slice3A_311 = vector.extract_strided_slice %get3A_6 {offsets = [13, 0, 0], sizes = [1, 3, 1024], strides = [1, 1, 1]} : vector<32x3x1024xf32> to vector<1x3x1024xf32>
    %squeeze3A_312 = vector.shape_cast %slice3A_311 : vector<1x3x1024xf32> to vector<3x1024xf32>
    %mul3A_313 = arith.mulf %squeeze3A_310, %squeeze3A_310 : vector<128x3xf32>
    %reduce_sum3A_314 = arith.constant dense<0.000000e+00> : vector<128xf32>
    %reduce_sum3A_315 = vector.multi_reduction <add>, %mul3A_313, %reduce_sum3A_314 [1] : vector<128x3xf32> to vector<128xf32>
    %broadcast_in_dim3A_316 = vector.shape_cast %reduce_sum3A_315 : vector<128xf32> to vector<128x1xf32>
    %mul3A_317 = arith.constant 2.500000e-01 : f32
    %mul3A_318 = vector.broadcast %mul3A_317 : f32 to vector<128x1xf32>
    %mul3A_319 = arith.mulf %mul3A_318, %broadcast_in_dim3A_316 : vector<128x1xf32>
    %mul3A_320 = arith.mulf %squeeze3A_312, %squeeze3A_312 : vector<3x1024xf32>
    %reduce_sum3A_321 = arith.constant dense<0.000000e+00> : vector<1024xf32>
    %reduce_sum3A_322 = vector.multi_reduction <add>, %mul3A_320, %reduce_sum3A_321 [0] : vector<3x1024xf32> to vector<1024xf32>
    %broadcast_in_dim3A_323 = vector.shape_cast %reduce_sum3A_322 : vector<1024xf32> to vector<1x1024xf32>
    %dot_general3A_324 = arith.constant dense<0.000000e+00> : vector<128x1024xf32>
    %dot_general3A_325 = tpu.matmul %squeeze3A_310, %squeeze3A_312, %dot_general3A_324 {dimension_numbers = #tpu.dot_dimension_numbers<[1], [0], [0], [1], [0, 0, 1, 1], [], []>, transpose_lhs_hint = false} : vector<128x3xf32>, vector<3x1024xf32>, vector<128x1024xf32> -> vector<128x1024xf32>
    %add3A_326 = vector.broadcast %mul3A_319 : vector<128x1xf32> to vector<128x1024xf32>
    %add3A_327 = vector.broadcast %broadcast_in_dim3A_323 : vector<1x1024xf32> to vector<128x1024xf32>
    %add3A_328 = arith.addf %add3A_326, %add3A_327 : vector<128x1024xf32>
    %add3A_329 = arith.addf %add3A_328, %dot_general3A_325 : vector<128x1024xf32>
    %slice3A_330 = vector.extract_strided_slice %get3A_2 {offsets = [0, 14, 0], sizes = [128, 1, 3], strides = [1, 1, 1]} : vector<128x32x3xf32> to vector<128x1x3xf32>
    %squeeze3A_331 = vector.shape_cast %slice3A_330 : vector<128x1x3xf32> to vector<128x3xf32>
    %slice3A_332 = vector.extract_strided_slice %get3A_6 {offsets = [14, 0, 0], sizes = [1, 3, 1024], strides = [1, 1, 1]} : vector<32x3x1024xf32> to vector<1x3x1024xf32>
    %squeeze3A_333 = vector.shape_cast %slice3A_332 : vector<1x3x1024xf32> to vector<3x1024xf32>
    %mul3A_334 = arith.mulf %squeeze3A_331, %squeeze3A_331 : vector<128x3xf32>
    %reduce_sum3A_335 = arith.constant dense<0.000000e+00> : vector<128xf32>
    %reduce_sum3A_336 = vector.multi_reduction <add>, %mul3A_334, %reduce_sum3A_335 [1] : vector<128x3xf32> to vector<128xf32>
    %broadcast_in_dim3A_337 = vector.shape_cast %reduce_sum3A_336 : vector<128xf32> to vector<128x1xf32>
    %mul3A_338 = arith.constant 2.500000e-01 : f32
    %mul3A_339 = vector.broadcast %mul3A_338 : f32 to vector<128x1xf32>
    %mul3A_340 = arith.mulf %mul3A_339, %broadcast_in_dim3A_337 : vector<128x1xf32>
    %mul3A_341 = arith.mulf %squeeze3A_333, %squeeze3A_333 : vector<3x1024xf32>
    %reduce_sum3A_342 = arith.constant dense<0.000000e+00> : vector<1024xf32>
    %reduce_sum3A_343 = vector.multi_reduction <add>, %mul3A_341, %reduce_sum3A_342 [0] : vector<3x1024xf32> to vector<1024xf32>
    %broadcast_in_dim3A_344 = vector.shape_cast %reduce_sum3A_343 : vector<1024xf32> to vector<1x1024xf32>
    %dot_general3A_345 = arith.constant dense<0.000000e+00> : vector<128x1024xf32>
    %dot_general3A_346 = tpu.matmul %squeeze3A_331, %squeeze3A_333, %dot_general3A_345 {dimension_numbers = #tpu.dot_dimension_numbers<[1], [0], [0], [1], [0, 0, 1, 1], [], []>, transpose_lhs_hint = false} : vector<128x3xf32>, vector<3x1024xf32>, vector<128x1024xf32> -> vector<128x1024xf32>
    %add3A_347 = vector.broadcast %mul3A_340 : vector<128x1xf32> to vector<128x1024xf32>
    %add3A_348 = vector.broadcast %broadcast_in_dim3A_344 : vector<1x1024xf32> to vector<128x1024xf32>
    %add3A_349 = arith.addf %add3A_347, %add3A_348 : vector<128x1024xf32>
    %add3A_350 = arith.addf %add3A_349, %dot_general3A_346 : vector<128x1024xf32>
    %slice3A_351 = vector.extract_strided_slice %get3A_2 {offsets = [0, 15, 0], sizes = [128, 1, 3], strides = [1, 1, 1]} : vector<128x32x3xf32> to vector<128x1x3xf32>
    %squeeze3A_352 = vector.shape_cast %slice3A_351 : vector<128x1x3xf32> to vector<128x3xf32>
    %slice3A_353 = vector.extract_strided_slice %get3A_6 {offsets = [15, 0, 0], sizes = [1, 3, 1024], strides = [1, 1, 1]} : vector<32x3x1024xf32> to vector<1x3x1024xf32>
    %squeeze3A_354 = vector.shape_cast %slice3A_353 : vector<1x3x1024xf32> to vector<3x1024xf32>
    %mul3A_355 = arith.mulf %squeeze3A_352, %squeeze3A_352 : vector<128x3xf32>
    %reduce_sum3A_356 = arith.constant dense<0.000000e+00> : vector<128xf32>
    %reduce_sum3A_357 = vector.multi_reduction <add>, %mul3A_355, %reduce_sum3A_356 [1] : vector<128x3xf32> to vector<128xf32>
    %broadcast_in_dim3A_358 = vector.shape_cast %reduce_sum3A_357 : vector<128xf32> to vector<128x1xf32>
    %mul3A_359 = arith.constant 2.500000e-01 : f32
    %mul3A_360 = vector.broadcast %mul3A_359 : f32 to vector<128x1xf32>
    %mul3A_361 = arith.mulf %mul3A_360, %broadcast_in_dim3A_358 : vector<128x1xf32>
    %mul3A_362 = arith.mulf %squeeze3A_354, %squeeze3A_354 : vector<3x1024xf32>
    %reduce_sum3A_363 = arith.constant dense<0.000000e+00> : vector<1024xf32>
    %reduce_sum3A_364 = vector.multi_reduction <add>, %mul3A_362, %reduce_sum3A_363 [0] : vector<3x1024xf32> to vector<1024xf32>
    %broadcast_in_dim3A_365 = vector.shape_cast %reduce_sum3A_364 : vector<1024xf32> to vector<1x1024xf32>
    %dot_general3A_366 = arith.constant dense<0.000000e+00> : vector<128x1024xf32>
    %dot_general3A_367 = tpu.matmul %squeeze3A_352, %squeeze3A_354, %dot_general3A_366 {dimension_numbers = #tpu.dot_dimension_numbers<[1], [0], [0], [1], [0, 0, 1, 1], [], []>, transpose_lhs_hint = false} : vector<128x3xf32>, vector<3x1024xf32>, vector<128x1024xf32> -> vector<128x1024xf32>
    %add3A_368 = vector.broadcast %mul3A_361 : vector<128x1xf32> to vector<128x1024xf32>
    %add3A_369 = vector.broadcast %broadcast_in_dim3A_365 : vector<1x1024xf32> to vector<128x1024xf32>
    %add3A_370 = arith.addf %add3A_368, %add3A_369 : vector<128x1024xf32>
    %add3A_371 = arith.addf %add3A_370, %dot_general3A_367 : vector<128x1024xf32>
    %max3A_372 = arith.maximumf %add3A_224, %add3A_245 : vector<128x1024xf32>
    %min3A_373 = arith.minimumf %add3A_224, %add3A_245 : vector<128x1024xf32>
    %max3A_374 = arith.maximumf %add3A_266, %add3A_287 : vector<128x1024xf32>
    %min3A_375 = arith.minimumf %add3A_266, %add3A_287 : vector<128x1024xf32>
    %max3A_376 = arith.maximumf %add3A_308, %add3A_329 : vector<128x1024xf32>
    %min3A_377 = arith.minimumf %add3A_308, %add3A_329 : vector<128x1024xf32>
    %max3A_378 = arith.maximumf %add3A_350, %add3A_371 : vector<128x1024xf32>
    %min3A_379 = arith.minimumf %add3A_350, %add3A_371 : vector<128x1024xf32>
    %max3A_380 = arith.maximumf %max3A_372, %max3A_374 : vector<128x1024xf32>
    %min3A_381 = arith.minimumf %max3A_372, %max3A_374 : vector<128x1024xf32>
    %max3A_382 = arith.maximumf %min3A_373, %min3A_375 : vector<128x1024xf32>
    %min3A_383 = arith.minimumf %min3A_373, %min3A_375 : vector<128x1024xf32>
    %max3A_384 = arith.maximumf %max3A_376, %max3A_378 : vector<128x1024xf32>
    %min3A_385 = arith.minimumf %max3A_376, %max3A_378 : vector<128x1024xf32>
    %max3A_386 = arith.maximumf %min3A_377, %min3A_379 : vector<128x1024xf32>
    %min3A_387 = arith.minimumf %min3A_377, %min3A_379 : vector<128x1024xf32>
    %max3A_388 = arith.maximumf %max3A_382, %min3A_381 : vector<128x1024xf32>
    %min3A_389 = arith.minimumf %max3A_382, %min3A_381 : vector<128x1024xf32>
    %max3A_390 = arith.maximumf %max3A_386, %min3A_385 : vector<128x1024xf32>
    %min3A_391 = arith.minimumf %max3A_386, %min3A_385 : vector<128x1024xf32>
    %max3A_392 = arith.maximumf %max3A_380, %max3A_384 : vector<128x1024xf32>
    %min3A_393 = arith.minimumf %max3A_380, %max3A_384 : vector<128x1024xf32>
    %max3A_394 = arith.maximumf %min3A_383, %min3A_387 : vector<128x1024xf32>
    %min3A_395 = arith.minimumf %min3A_383, %min3A_387 : vector<128x1024xf32>
    %max3A_396 = arith.maximumf %max3A_388, %max3A_390 : vector<128x1024xf32>
    %min3A_397 = arith.minimumf %max3A_388, %max3A_390 : vector<128x1024xf32>
    %max3A_398 = arith.maximumf %min3A_389, %min3A_391 : vector<128x1024xf32>
    %min3A_399 = arith.minimumf %min3A_389, %min3A_391 : vector<128x1024xf32>
    %max3A_400 = arith.maximumf %max3A_396, %min3A_393 : vector<128x1024xf32>
    %min3A_401 = arith.minimumf %max3A_396, %min3A_393 : vector<128x1024xf32>
    %max3A_402 = arith.maximumf %max3A_394, %min3A_399 : vector<128x1024xf32>
    %min3A_403 = arith.minimumf %max3A_394, %min3A_399 : vector<128x1024xf32>
    %max3A_404 = arith.maximumf %max3A_398, %min3A_401 : vector<128x1024xf32>
    %min3A_405 = arith.minimumf %max3A_398, %min3A_401 : vector<128x1024xf32>
    %max3A_406 = arith.maximumf %max3A_402, %min3A_397 : vector<128x1024xf32>
    %min3A_407 = arith.minimumf %max3A_402, %min3A_397 : vector<128x1024xf32>
    %max3A_408 = arith.maximumf %max3A_406, %min3A_405 : vector<128x1024xf32>
    %min3A_409 = arith.minimumf %max3A_406, %min3A_405 : vector<128x1024xf32>
    %max3A_410 = arith.maximumf %max3A_186, %min3A_395 : vector<128x1024xf32>
    %max3A_411 = arith.maximumf %max3A_194, %min3A_403 : vector<128x1024xf32>
    %max3A_412 = arith.maximumf %max3A_198, %min3A_407 : vector<128x1024xf32>
    %max3A_413 = arith.maximumf %max3A_202, %min3A_409 : vector<128x1024xf32>
    %max3A_414 = arith.maximumf %min3A_203, %max3A_408 : vector<128x1024xf32>
    %max3A_415 = arith.maximumf %min3A_201, %max3A_404 : vector<128x1024xf32>
    %max3A_416 = arith.maximumf %min3A_197, %max3A_400 : vector<128x1024xf32>
    %max3A_417 = arith.maximumf %min3A_189, %max3A_392 : vector<128x1024xf32>
    %max3A_418 = arith.maximumf %max3A_410, %max3A_414 : vector<128x1024xf32>
    %min3A_419 = arith.minimumf %max3A_410, %max3A_414 : vector<128x1024xf32>
    %max3A_420 = arith.maximumf %max3A_411, %max3A_415 : vector<128x1024xf32>
    %min3A_421 = arith.minimumf %max3A_411, %max3A_415 : vector<128x1024xf32>
    %max3A_422 = arith.maximumf %max3A_412, %max3A_416 : vector<128x1024xf32>
    %min3A_423 = arith.minimumf %max3A_412, %max3A_416 : vector<128x1024xf32>
    %max3A_424 = arith.maximumf %max3A_413, %max3A_417 : vector<128x1024xf32>
    %min3A_425 = arith.minimumf %max3A_413, %max3A_417 : vector<128x1024xf32>
    %max3A_426 = arith.maximumf %max3A_418, %max3A_422 : vector<128x1024xf32>
    %min3A_427 = arith.minimumf %max3A_418, %max3A_422 : vector<128x1024xf32>
    %max3A_428 = arith.maximumf %max3A_420, %max3A_424 : vector<128x1024xf32>
    %min3A_429 = arith.minimumf %max3A_420, %max3A_424 : vector<128x1024xf32>
    %max3A_430 = arith.maximumf %min3A_419, %min3A_423 : vector<128x1024xf32>
    %min3A_431 = arith.minimumf %min3A_419, %min3A_423 : vector<128x1024xf32>
    %max3A_432 = arith.maximumf %min3A_421, %min3A_425 : vector<128x1024xf32>
    %min3A_433 = arith.minimumf %min3A_421, %min3A_425 : vector<128x1024xf32>
    %max3A_434 = arith.maximumf %max3A_426, %max3A_428 : vector<128x1024xf32>
    %min3A_435 = arith.minimumf %max3A_426, %max3A_428 : vector<128x1024xf32>
    %max3A_436 = arith.maximumf %min3A_427, %min3A_429 : vector<128x1024xf32>
    %min3A_437 = arith.minimumf %min3A_427, %min3A_429 : vector<128x1024xf32>
    %max3A_438 = arith.maximumf %max3A_430, %max3A_432 : vector<128x1024xf32>
    %min3A_439 = arith.minimumf %max3A_430, %max3A_432 : vector<128x1024xf32>
    %max3A_440 = arith.maximumf %min3A_431, %min3A_433 : vector<128x1024xf32>
    %min3A_441 = arith.minimumf %min3A_431, %min3A_433 : vector<128x1024xf32>
    %slice3A_442 = vector.extract_strided_slice %get3A_2 {offsets = [0, 16, 0], sizes = [128, 1, 3], strides = [1, 1, 1]} : vector<128x32x3xf32> to vector<128x1x3xf32>
    %squeeze3A_443 = vector.shape_cast %slice3A_442 : vector<128x1x3xf32> to vector<128x3xf32>
    %slice3A_444 = vector.extract_strided_slice %get3A_6 {offsets = [16, 0, 0], sizes = [1, 3, 1024], strides = [1, 1, 1]} : vector<32x3x1024xf32> to vector<1x3x1024xf32>
    %squeeze3A_445 = vector.shape_cast %slice3A_444 : vector<1x3x1024xf32> to vector<3x1024xf32>
    %mul3A_446 = arith.mulf %squeeze3A_443, %squeeze3A_443 : vector<128x3xf32>
    %reduce_sum3A_447 = arith.constant dense<0.000000e+00> : vector<128xf32>
    %reduce_sum3A_448 = vector.multi_reduction <add>, %mul3A_446, %reduce_sum3A_447 [1] : vector<128x3xf32> to vector<128xf32>
    %broadcast_in_dim3A_449 = vector.shape_cast %reduce_sum3A_448 : vector<128xf32> to vector<128x1xf32>
    %mul3A_450 = arith.constant 2.500000e-01 : f32
    %mul3A_451 = vector.broadcast %mul3A_450 : f32 to vector<128x1xf32>
    %mul3A_452 = arith.mulf %mul3A_451, %broadcast_in_dim3A_449 : vector<128x1xf32>
    %mul3A_453 = arith.mulf %squeeze3A_445, %squeeze3A_445 : vector<3x1024xf32>
    %reduce_sum3A_454 = arith.constant dense<0.000000e+00> : vector<1024xf32>
    %reduce_sum3A_455 = vector.multi_reduction <add>, %mul3A_453, %reduce_sum3A_454 [0] : vector<3x1024xf32> to vector<1024xf32>
    %broadcast_in_dim3A_456 = vector.shape_cast %reduce_sum3A_455 : vector<1024xf32> to vector<1x1024xf32>
    %dot_general3A_457 = arith.constant dense<0.000000e+00> : vector<128x1024xf32>
    %dot_general3A_458 = tpu.matmul %squeeze3A_443, %squeeze3A_445, %dot_general3A_457 {dimension_numbers = #tpu.dot_dimension_numbers<[1], [0], [0], [1], [0, 0, 1, 1], [], []>, transpose_lhs_hint = false} : vector<128x3xf32>, vector<3x1024xf32>, vector<128x1024xf32> -> vector<128x1024xf32>
    %add3A_459 = vector.broadcast %mul3A_452 : vector<128x1xf32> to vector<128x1024xf32>
    %add3A_460 = vector.broadcast %broadcast_in_dim3A_456 : vector<1x1024xf32> to vector<128x1024xf32>
    %add3A_461 = arith.addf %add3A_459, %add3A_460 : vector<128x1024xf32>
    %add3A_462 = arith.addf %add3A_461, %dot_general3A_458 : vector<128x1024xf32>
    %slice3A_463 = vector.extract_strided_slice %get3A_2 {offsets = [0, 17, 0], sizes = [128, 1, 3], strides = [1, 1, 1]} : vector<128x32x3xf32> to vector<128x1x3xf32>
    %squeeze3A_464 = vector.shape_cast %slice3A_463 : vector<128x1x3xf32> to vector<128x3xf32>
    %slice3A_465 = vector.extract_strided_slice %get3A_6 {offsets = [17, 0, 0], sizes = [1, 3, 1024], strides = [1, 1, 1]} : vector<32x3x1024xf32> to vector<1x3x1024xf32>
    %squeeze3A_466 = vector.shape_cast %slice3A_465 : vector<1x3x1024xf32> to vector<3x1024xf32>
    %mul3A_467 = arith.mulf %squeeze3A_464, %squeeze3A_464 : vector<128x3xf32>
    %reduce_sum3A_468 = arith.constant dense<0.000000e+00> : vector<128xf32>
    %reduce_sum3A_469 = vector.multi_reduction <add>, %mul3A_467, %reduce_sum3A_468 [1] : vector<128x3xf32> to vector<128xf32>
    %broadcast_in_dim3A_470 = vector.shape_cast %reduce_sum3A_469 : vector<128xf32> to vector<128x1xf32>
    %mul3A_471 = arith.constant 2.500000e-01 : f32
    %mul3A_472 = vector.broadcast %mul3A_471 : f32 to vector<128x1xf32>
    %mul3A_473 = arith.mulf %mul3A_472, %broadcast_in_dim3A_470 : vector<128x1xf32>
    %mul3A_474 = arith.mulf %squeeze3A_466, %squeeze3A_466 : vector<3x1024xf32>
    %reduce_sum3A_475 = arith.constant dense<0.000000e+00> : vector<1024xf32>
    %reduce_sum3A_476 = vector.multi_reduction <add>, %mul3A_474, %reduce_sum3A_475 [0] : vector<3x1024xf32> to vector<1024xf32>
    %broadcast_in_dim3A_477 = vector.shape_cast %reduce_sum3A_476 : vector<1024xf32> to vector<1x1024xf32>
    %dot_general3A_478 = arith.constant dense<0.000000e+00> : vector<128x1024xf32>
    %dot_general3A_479 = tpu.matmul %squeeze3A_464, %squeeze3A_466, %dot_general3A_478 {dimension_numbers = #tpu.dot_dimension_numbers<[1], [0], [0], [1], [0, 0, 1, 1], [], []>, transpose_lhs_hint = false} : vector<128x3xf32>, vector<3x1024xf32>, vector<128x1024xf32> -> vector<128x1024xf32>
    %add3A_480 = vector.broadcast %mul3A_473 : vector<128x1xf32> to vector<128x1024xf32>
    %add3A_481 = vector.broadcast %broadcast_in_dim3A_477 : vector<1x1024xf32> to vector<128x1024xf32>
    %add3A_482 = arith.addf %add3A_480, %add3A_481 : vector<128x1024xf32>
    %add3A_483 = arith.addf %add3A_482, %dot_general3A_479 : vector<128x1024xf32>
    %slice3A_484 = vector.extract_strided_slice %get3A_2 {offsets = [0, 18, 0], sizes = [128, 1, 3], strides = [1, 1, 1]} : vector<128x32x3xf32> to vector<128x1x3xf32>
    %squeeze3A_485 = vector.shape_cast %slice3A_484 : vector<128x1x3xf32> to vector<128x3xf32>
    %slice3A_486 = vector.extract_strided_slice %get3A_6 {offsets = [18, 0, 0], sizes = [1, 3, 1024], strides = [1, 1, 1]} : vector<32x3x1024xf32> to vector<1x3x1024xf32>
    %squeeze3A_487 = vector.shape_cast %slice3A_486 : vector<1x3x1024xf32> to vector<3x1024xf32>
    %mul3A_488 = arith.mulf %squeeze3A_485, %squeeze3A_485 : vector<128x3xf32>
    %reduce_sum3A_489 = arith.constant dense<0.000000e+00> : vector<128xf32>
    %reduce_sum3A_490 = vector.multi_reduction <add>, %mul3A_488, %reduce_sum3A_489 [1] : vector<128x3xf32> to vector<128xf32>
    %broadcast_in_dim3A_491 = vector.shape_cast %reduce_sum3A_490 : vector<128xf32> to vector<128x1xf32>
    %mul3A_492 = arith.constant 2.500000e-01 : f32
    %mul3A_493 = vector.broadcast %mul3A_492 : f32 to vector<128x1xf32>
    %mul3A_494 = arith.mulf %mul3A_493, %broadcast_in_dim3A_491 : vector<128x1xf32>
    %mul3A_495 = arith.mulf %squeeze3A_487, %squeeze3A_487 : vector<3x1024xf32>
    %reduce_sum3A_496 = arith.constant dense<0.000000e+00> : vector<1024xf32>
    %reduce_sum3A_497 = vector.multi_reduction <add>, %mul3A_495, %reduce_sum3A_496 [0] : vector<3x1024xf32> to vector<1024xf32>
    %broadcast_in_dim3A_498 = vector.shape_cast %reduce_sum3A_497 : vector<1024xf32> to vector<1x1024xf32>
    %dot_general3A_499 = arith.constant dense<0.000000e+00> : vector<128x1024xf32>
    %dot_general3A_500 = tpu.matmul %squeeze3A_485, %squeeze3A_487, %dot_general3A_499 {dimension_numbers = #tpu.dot_dimension_numbers<[1], [0], [0], [1], [0, 0, 1, 1], [], []>, transpose_lhs_hint = false} : vector<128x3xf32>, vector<3x1024xf32>, vector<128x1024xf32> -> vector<128x1024xf32>
    %add3A_501 = vector.broadcast %mul3A_494 : vector<128x1xf32> to vector<128x1024xf32>
    %add3A_502 = vector.broadcast %broadcast_in_dim3A_498 : vector<1x1024xf32> to vector<128x1024xf32>
    %add3A_503 = arith.addf %add3A_501, %add3A_502 : vector<128x1024xf32>
    %add3A_504 = arith.addf %add3A_503, %dot_general3A_500 : vector<128x1024xf32>
    %slice3A_505 = vector.extract_strided_slice %get3A_2 {offsets = [0, 19, 0], sizes = [128, 1, 3], strides = [1, 1, 1]} : vector<128x32x3xf32> to vector<128x1x3xf32>
    %squeeze3A_506 = vector.shape_cast %slice3A_505 : vector<128x1x3xf32> to vector<128x3xf32>
    %slice3A_507 = vector.extract_strided_slice %get3A_6 {offsets = [19, 0, 0], sizes = [1, 3, 1024], strides = [1, 1, 1]} : vector<32x3x1024xf32> to vector<1x3x1024xf32>
    %squeeze3A_508 = vector.shape_cast %slice3A_507 : vector<1x3x1024xf32> to vector<3x1024xf32>
    %mul3A_509 = arith.mulf %squeeze3A_506, %squeeze3A_506 : vector<128x3xf32>
    %reduce_sum3A_510 = arith.constant dense<0.000000e+00> : vector<128xf32>
    %reduce_sum3A_511 = vector.multi_reduction <add>, %mul3A_509, %reduce_sum3A_510 [1] : vector<128x3xf32> to vector<128xf32>
    %broadcast_in_dim3A_512 = vector.shape_cast %reduce_sum3A_511 : vector<128xf32> to vector<128x1xf32>
    %mul3A_513 = arith.constant 2.500000e-01 : f32
    %mul3A_514 = vector.broadcast %mul3A_513 : f32 to vector<128x1xf32>
    %mul3A_515 = arith.mulf %mul3A_514, %broadcast_in_dim3A_512 : vector<128x1xf32>
    %mul3A_516 = arith.mulf %squeeze3A_508, %squeeze3A_508 : vector<3x1024xf32>
    %reduce_sum3A_517 = arith.constant dense<0.000000e+00> : vector<1024xf32>
    %reduce_sum3A_518 = vector.multi_reduction <add>, %mul3A_516, %reduce_sum3A_517 [0] : vector<3x1024xf32> to vector<1024xf32>
    %broadcast_in_dim3A_519 = vector.shape_cast %reduce_sum3A_518 : vector<1024xf32> to vector<1x1024xf32>
    %dot_general3A_520 = arith.constant dense<0.000000e+00> : vector<128x1024xf32>
    %dot_general3A_521 = tpu.matmul %squeeze3A_506, %squeeze3A_508, %dot_general3A_520 {dimension_numbers = #tpu.dot_dimension_numbers<[1], [0], [0], [1], [0, 0, 1, 1], [], []>, transpose_lhs_hint = false} : vector<128x3xf32>, vector<3x1024xf32>, vector<128x1024xf32> -> vector<128x1024xf32>
    %add3A_522 = vector.broadcast %mul3A_515 : vector<128x1xf32> to vector<128x1024xf32>
    %add3A_523 = vector.broadcast %broadcast_in_dim3A_519 : vector<1x1024xf32> to vector<128x1024xf32>
    %add3A_524 = arith.addf %add3A_522, %add3A_523 : vector<128x1024xf32>
    %add3A_525 = arith.addf %add3A_524, %dot_general3A_521 : vector<128x1024xf32>
    %slice3A_526 = vector.extract_strided_slice %get3A_2 {offsets = [0, 20, 0], sizes = [128, 1, 3], strides = [1, 1, 1]} : vector<128x32x3xf32> to vector<128x1x3xf32>
    %squeeze3A_527 = vector.shape_cast %slice3A_526 : vector<128x1x3xf32> to vector<128x3xf32>
    %slice3A_528 = vector.extract_strided_slice %get3A_6 {offsets = [20, 0, 0], sizes = [1, 3, 1024], strides = [1, 1, 1]} : vector<32x3x1024xf32> to vector<1x3x1024xf32>
    %squeeze3A_529 = vector.shape_cast %slice3A_528 : vector<1x3x1024xf32> to vector<3x1024xf32>
    %mul3A_530 = arith.mulf %squeeze3A_527, %squeeze3A_527 : vector<128x3xf32>
    %reduce_sum3A_531 = arith.constant dense<0.000000e+00> : vector<128xf32>
    %reduce_sum3A_532 = vector.multi_reduction <add>, %mul3A_530, %reduce_sum3A_531 [1] : vector<128x3xf32> to vector<128xf32>
    %broadcast_in_dim3A_533 = vector.shape_cast %reduce_sum3A_532 : vector<128xf32> to vector<128x1xf32>
    %mul3A_534 = arith.constant 2.500000e-01 : f32
    %mul3A_535 = vector.broadcast %mul3A_534 : f32 to vector<128x1xf32>
    %mul3A_536 = arith.mulf %mul3A_535, %broadcast_in_dim3A_533 : vector<128x1xf32>
    %mul3A_537 = arith.mulf %squeeze3A_529, %squeeze3A_529 : vector<3x1024xf32>
    %reduce_sum3A_538 = arith.constant dense<0.000000e+00> : vector<1024xf32>
    %reduce_sum3A_539 = vector.multi_reduction <add>, %mul3A_537, %reduce_sum3A_538 [0] : vector<3x1024xf32> to vector<1024xf32>
    %broadcast_in_dim3A_540 = vector.shape_cast %reduce_sum3A_539 : vector<1024xf32> to vector<1x1024xf32>
    %dot_general3A_541 = arith.constant dense<0.000000e+00> : vector<128x1024xf32>
    %dot_general3A_542 = tpu.matmul %squeeze3A_527, %squeeze3A_529, %dot_general3A_541 {dimension_numbers = #tpu.dot_dimension_numbers<[1], [0], [0], [1], [0, 0, 1, 1], [], []>, transpose_lhs_hint = false} : vector<128x3xf32>, vector<3x1024xf32>, vector<128x1024xf32> -> vector<128x1024xf32>
    %add3A_543 = vector.broadcast %mul3A_536 : vector<128x1xf32> to vector<128x1024xf32>
    %add3A_544 = vector.broadcast %broadcast_in_dim3A_540 : vector<1x1024xf32> to vector<128x1024xf32>
    %add3A_545 = arith.addf %add3A_543, %add3A_544 : vector<128x1024xf32>
    %add3A_546 = arith.addf %add3A_545, %dot_general3A_542 : vector<128x1024xf32>
    %slice3A_547 = vector.extract_strided_slice %get3A_2 {offsets = [0, 21, 0], sizes = [128, 1, 3], strides = [1, 1, 1]} : vector<128x32x3xf32> to vector<128x1x3xf32>
    %squeeze3A_548 = vector.shape_cast %slice3A_547 : vector<128x1x3xf32> to vector<128x3xf32>
    %slice3A_549 = vector.extract_strided_slice %get3A_6 {offsets = [21, 0, 0], sizes = [1, 3, 1024], strides = [1, 1, 1]} : vector<32x3x1024xf32> to vector<1x3x1024xf32>
    %squeeze3A_550 = vector.shape_cast %slice3A_549 : vector<1x3x1024xf32> to vector<3x1024xf32>
    %mul3A_551 = arith.mulf %squeeze3A_548, %squeeze3A_548 : vector<128x3xf32>
    %reduce_sum3A_552 = arith.constant dense<0.000000e+00> : vector<128xf32>
    %reduce_sum3A_553 = vector.multi_reduction <add>, %mul3A_551, %reduce_sum3A_552 [1] : vector<128x3xf32> to vector<128xf32>
    %broadcast_in_dim3A_554 = vector.shape_cast %reduce_sum3A_553 : vector<128xf32> to vector<128x1xf32>
    %mul3A_555 = arith.constant 2.500000e-01 : f32
    %mul3A_556 = vector.broadcast %mul3A_555 : f32 to vector<128x1xf32>
    %mul3A_557 = arith.mulf %mul3A_556, %broadcast_in_dim3A_554 : vector<128x1xf32>
    %mul3A_558 = arith.mulf %squeeze3A_550, %squeeze3A_550 : vector<3x1024xf32>
    %reduce_sum3A_559 = arith.constant dense<0.000000e+00> : vector<1024xf32>
    %reduce_sum3A_560 = vector.multi_reduction <add>, %mul3A_558, %reduce_sum3A_559 [0] : vector<3x1024xf32> to vector<1024xf32>
    %broadcast_in_dim3A_561 = vector.shape_cast %reduce_sum3A_560 : vector<1024xf32> to vector<1x1024xf32>
    %dot_general3A_562 = arith.constant dense<0.000000e+00> : vector<128x1024xf32>
    %dot_general3A_563 = tpu.matmul %squeeze3A_548, %squeeze3A_550, %dot_general3A_562 {dimension_numbers = #tpu.dot_dimension_numbers<[1], [0], [0], [1], [0, 0, 1, 1], [], []>, transpose_lhs_hint = false} : vector<128x3xf32>, vector<3x1024xf32>, vector<128x1024xf32> -> vector<128x1024xf32>
    %add3A_564 = vector.broadcast %mul3A_557 : vector<128x1xf32> to vector<128x1024xf32>
    %add3A_565 = vector.broadcast %broadcast_in_dim3A_561 : vector<1x1024xf32> to vector<128x1024xf32>
    %add3A_566 = arith.addf %add3A_564, %add3A_565 : vector<128x1024xf32>
    %add3A_567 = arith.addf %add3A_566, %dot_general3A_563 : vector<128x1024xf32>
    %slice3A_568 = vector.extract_strided_slice %get3A_2 {offsets = [0, 22, 0], sizes = [128, 1, 3], strides = [1, 1, 1]} : vector<128x32x3xf32> to vector<128x1x3xf32>
    %squeeze3A_569 = vector.shape_cast %slice3A_568 : vector<128x1x3xf32> to vector<128x3xf32>
    %slice3A_570 = vector.extract_strided_slice %get3A_6 {offsets = [22, 0, 0], sizes = [1, 3, 1024], strides = [1, 1, 1]} : vector<32x3x1024xf32> to vector<1x3x1024xf32>
    %squeeze3A_571 = vector.shape_cast %slice3A_570 : vector<1x3x1024xf32> to vector<3x1024xf32>
    %mul3A_572 = arith.mulf %squeeze3A_569, %squeeze3A_569 : vector<128x3xf32>
    %reduce_sum3A_573 = arith.constant dense<0.000000e+00> : vector<128xf32>
    %reduce_sum3A_574 = vector.multi_reduction <add>, %mul3A_572, %reduce_sum3A_573 [1] : vector<128x3xf32> to vector<128xf32>
    %broadcast_in_dim3A_575 = vector.shape_cast %reduce_sum3A_574 : vector<128xf32> to vector<128x1xf32>
    %mul3A_576 = arith.constant 2.500000e-01 : f32
    %mul3A_577 = vector.broadcast %mul3A_576 : f32 to vector<128x1xf32>
    %mul3A_578 = arith.mulf %mul3A_577, %broadcast_in_dim3A_575 : vector<128x1xf32>
    %mul3A_579 = arith.mulf %squeeze3A_571, %squeeze3A_571 : vector<3x1024xf32>
    %reduce_sum3A_580 = arith.constant dense<0.000000e+00> : vector<1024xf32>
    %reduce_sum3A_581 = vector.multi_reduction <add>, %mul3A_579, %reduce_sum3A_580 [0] : vector<3x1024xf32> to vector<1024xf32>
    %broadcast_in_dim3A_582 = vector.shape_cast %reduce_sum3A_581 : vector<1024xf32> to vector<1x1024xf32>
    %dot_general3A_583 = arith.constant dense<0.000000e+00> : vector<128x1024xf32>
    %dot_general3A_584 = tpu.matmul %squeeze3A_569, %squeeze3A_571, %dot_general3A_583 {dimension_numbers = #tpu.dot_dimension_numbers<[1], [0], [0], [1], [0, 0, 1, 1], [], []>, transpose_lhs_hint = false} : vector<128x3xf32>, vector<3x1024xf32>, vector<128x1024xf32> -> vector<128x1024xf32>
    %add3A_585 = vector.broadcast %mul3A_578 : vector<128x1xf32> to vector<128x1024xf32>
    %add3A_586 = vector.broadcast %broadcast_in_dim3A_582 : vector<1x1024xf32> to vector<128x1024xf32>
    %add3A_587 = arith.addf %add3A_585, %add3A_586 : vector<128x1024xf32>
    %add3A_588 = arith.addf %add3A_587, %dot_general3A_584 : vector<128x1024xf32>
    %slice3A_589 = vector.extract_strided_slice %get3A_2 {offsets = [0, 23, 0], sizes = [128, 1, 3], strides = [1, 1, 1]} : vector<128x32x3xf32> to vector<128x1x3xf32>
    %squeeze3A_590 = vector.shape_cast %slice3A_589 : vector<128x1x3xf32> to vector<128x3xf32>
    %slice3A_591 = vector.extract_strided_slice %get3A_6 {offsets = [23, 0, 0], sizes = [1, 3, 1024], strides = [1, 1, 1]} : vector<32x3x1024xf32> to vector<1x3x1024xf32>
    %squeeze3A_592 = vector.shape_cast %slice3A_591 : vector<1x3x1024xf32> to vector<3x1024xf32>
    %mul3A_593 = arith.mulf %squeeze3A_590, %squeeze3A_590 : vector<128x3xf32>
    %reduce_sum3A_594 = arith.constant dense<0.000000e+00> : vector<128xf32>
    %reduce_sum3A_595 = vector.multi_reduction <add>, %mul3A_593, %reduce_sum3A_594 [1] : vector<128x3xf32> to vector<128xf32>
    %broadcast_in_dim3A_596 = vector.shape_cast %reduce_sum3A_595 : vector<128xf32> to vector<128x1xf32>
    %mul3A_597 = arith.constant 2.500000e-01 : f32
    %mul3A_598 = vector.broadcast %mul3A_597 : f32 to vector<128x1xf32>
    %mul3A_599 = arith.mulf %mul3A_598, %broadcast_in_dim3A_596 : vector<128x1xf32>
    %mul3A_600 = arith.mulf %squeeze3A_592, %squeeze3A_592 : vector<3x1024xf32>
    %reduce_sum3A_601 = arith.constant dense<0.000000e+00> : vector<1024xf32>
    %reduce_sum3A_602 = vector.multi_reduction <add>, %mul3A_600, %reduce_sum3A_601 [0] : vector<3x1024xf32> to vector<1024xf32>
    %broadcast_in_dim3A_603 = vector.shape_cast %reduce_sum3A_602 : vector<1024xf32> to vector<1x1024xf32>
    %dot_general3A_604 = arith.constant dense<0.000000e+00> : vector<128x1024xf32>
    %dot_general3A_605 = tpu.matmul %squeeze3A_590, %squeeze3A_592, %dot_general3A_604 {dimension_numbers = #tpu.dot_dimension_numbers<[1], [0], [0], [1], [0, 0, 1, 1], [], []>, transpose_lhs_hint = false} : vector<128x3xf32>, vector<3x1024xf32>, vector<128x1024xf32> -> vector<128x1024xf32>
    %add3A_606 = vector.broadcast %mul3A_599 : vector<128x1xf32> to vector<128x1024xf32>
    %add3A_607 = vector.broadcast %broadcast_in_dim3A_603 : vector<1x1024xf32> to vector<128x1024xf32>
    %add3A_608 = arith.addf %add3A_606, %add3A_607 : vector<128x1024xf32>
    %add3A_609 = arith.addf %add3A_608, %dot_general3A_605 : vector<128x1024xf32>
    %max3A_610 = arith.maximumf %add3A_462, %add3A_483 : vector<128x1024xf32>
    %min3A_611 = arith.minimumf %add3A_462, %add3A_483 : vector<128x1024xf32>
    %max3A_612 = arith.maximumf %add3A_504, %add3A_525 : vector<128x1024xf32>
    %min3A_613 = arith.minimumf %add3A_504, %add3A_525 : vector<128x1024xf32>
    %max3A_614 = arith.maximumf %add3A_546, %add3A_567 : vector<128x1024xf32>
    %min3A_615 = arith.minimumf %add3A_546, %add3A_567 : vector<128x1024xf32>
    %max3A_616 = arith.maximumf %add3A_588, %add3A_609 : vector<128x1024xf32>
    %min3A_617 = arith.minimumf %add3A_588, %add3A_609 : vector<128x1024xf32>
    %max3A_618 = arith.maximumf %max3A_610, %max3A_612 : vector<128x1024xf32>
    %min3A_619 = arith.minimumf %max3A_610, %max3A_612 : vector<128x1024xf32>
    %max3A_620 = arith.maximumf %min3A_611, %min3A_613 : vector<128x1024xf32>
    %min3A_621 = arith.minimumf %min3A_611, %min3A_613 : vector<128x1024xf32>
    %max3A_622 = arith.maximumf %max3A_614, %max3A_616 : vector<128x1024xf32>
    %min3A_623 = arith.minimumf %max3A_614, %max3A_616 : vector<128x1024xf32>
    %max3A_624 = arith.maximumf %min3A_615, %min3A_617 : vector<128x1024xf32>
    %min3A_625 = arith.minimumf %min3A_615, %min3A_617 : vector<128x1024xf32>
    %max3A_626 = arith.maximumf %max3A_620, %min3A_619 : vector<128x1024xf32>
    %min3A_627 = arith.minimumf %max3A_620, %min3A_619 : vector<128x1024xf32>
    %max3A_628 = arith.maximumf %max3A_624, %min3A_623 : vector<128x1024xf32>
    %min3A_629 = arith.minimumf %max3A_624, %min3A_623 : vector<128x1024xf32>
    %max3A_630 = arith.maximumf %max3A_618, %max3A_622 : vector<128x1024xf32>
    %min3A_631 = arith.minimumf %max3A_618, %max3A_622 : vector<128x1024xf32>
    %max3A_632 = arith.maximumf %min3A_621, %min3A_625 : vector<128x1024xf32>
    %min3A_633 = arith.minimumf %min3A_621, %min3A_625 : vector<128x1024xf32>
    %max3A_634 = arith.maximumf %max3A_626, %max3A_628 : vector<128x1024xf32>
    %min3A_635 = arith.minimumf %max3A_626, %max3A_628 : vector<128x1024xf32>
    %max3A_636 = arith.maximumf %min3A_627, %min3A_629 : vector<128x1024xf32>
    %min3A_637 = arith.minimumf %min3A_627, %min3A_629 : vector<128x1024xf32>
    %max3A_638 = arith.maximumf %max3A_634, %min3A_631 : vector<128x1024xf32>
    %min3A_639 = arith.minimumf %max3A_634, %min3A_631 : vector<128x1024xf32>
    %max3A_640 = arith.maximumf %max3A_632, %min3A_637 : vector<128x1024xf32>
    %min3A_641 = arith.minimumf %max3A_632, %min3A_637 : vector<128x1024xf32>
    %max3A_642 = arith.maximumf %max3A_636, %min3A_639 : vector<128x1024xf32>
    %min3A_643 = arith.minimumf %max3A_636, %min3A_639 : vector<128x1024xf32>
    %max3A_644 = arith.maximumf %max3A_640, %min3A_635 : vector<128x1024xf32>
    %min3A_645 = arith.minimumf %max3A_640, %min3A_635 : vector<128x1024xf32>
    %max3A_646 = arith.maximumf %max3A_644, %min3A_643 : vector<128x1024xf32>
    %min3A_647 = arith.minimumf %max3A_644, %min3A_643 : vector<128x1024xf32>
    %max3A_648 = arith.maximumf %max3A_434, %min3A_633 : vector<128x1024xf32>
    %max3A_649 = arith.maximumf %min3A_435, %min3A_641 : vector<128x1024xf32>
    %max3A_650 = arith.maximumf %max3A_436, %min3A_645 : vector<128x1024xf32>
    %max3A_651 = arith.maximumf %min3A_437, %min3A_647 : vector<128x1024xf32>
    %max3A_652 = arith.maximumf %max3A_438, %max3A_646 : vector<128x1024xf32>
    %max3A_653 = arith.maximumf %min3A_439, %max3A_642 : vector<128x1024xf32>
    %max3A_654 = arith.maximumf %max3A_440, %max3A_638 : vector<128x1024xf32>
    %max3A_655 = arith.maximumf %min3A_441, %max3A_630 : vector<128x1024xf32>
    %max3A_656 = arith.maximumf %max3A_648, %max3A_652 : vector<128x1024xf32>
    %min3A_657 = arith.minimumf %max3A_648, %max3A_652 : vector<128x1024xf32>
    %max3A_658 = arith.maximumf %max3A_649, %max3A_653 : vector<128x1024xf32>
    %min3A_659 = arith.minimumf %max3A_649, %max3A_653 : vector<128x1024xf32>
    %max3A_660 = arith.maximumf %max3A_650, %max3A_654 : vector<128x1024xf32>
    %min3A_661 = arith.minimumf %max3A_650, %max3A_654 : vector<128x1024xf32>
    %max3A_662 = arith.maximumf %max3A_651, %max3A_655 : vector<128x1024xf32>
    %min3A_663 = arith.minimumf %max3A_651, %max3A_655 : vector<128x1024xf32>
    %max3A_664 = arith.maximumf %max3A_656, %max3A_660 : vector<128x1024xf32>
    %min3A_665 = arith.minimumf %max3A_656, %max3A_660 : vector<128x1024xf32>
    %max3A_666 = arith.maximumf %max3A_658, %max3A_662 : vector<128x1024xf32>
    %min3A_667 = arith.minimumf %max3A_658, %max3A_662 : vector<128x1024xf32>
    %max3A_668 = arith.maximumf %min3A_657, %min3A_661 : vector<128x1024xf32>
    %min3A_669 = arith.minimumf %min3A_657, %min3A_661 : vector<128x1024xf32>
    %max3A_670 = arith.maximumf %min3A_659, %min3A_663 : vector<128x1024xf32>
    %min3A_671 = arith.minimumf %min3A_659, %min3A_663 : vector<128x1024xf32>
    %max3A_672 = arith.maximumf %max3A_664, %max3A_666 : vector<128x1024xf32>
    %min3A_673 = arith.minimumf %max3A_664, %max3A_666 : vector<128x1024xf32>
    %max3A_674 = arith.maximumf %min3A_665, %min3A_667 : vector<128x1024xf32>
    %min3A_675 = arith.minimumf %min3A_665, %min3A_667 : vector<128x1024xf32>
    %max3A_676 = arith.maximumf %max3A_668, %max3A_670 : vector<128x1024xf32>
    %min3A_677 = arith.minimumf %max3A_668, %max3A_670 : vector<128x1024xf32>
    %max3A_678 = arith.maximumf %min3A_669, %min3A_671 : vector<128x1024xf32>
    %min3A_679 = arith.minimumf %min3A_669, %min3A_671 : vector<128x1024xf32>
    %slice3A_680 = vector.extract_strided_slice %get3A_2 {offsets = [0, 24, 0], sizes = [128, 1, 3], strides = [1, 1, 1]} : vector<128x32x3xf32> to vector<128x1x3xf32>
    %squeeze3A_681 = vector.shape_cast %slice3A_680 : vector<128x1x3xf32> to vector<128x3xf32>
    %slice3A_682 = vector.extract_strided_slice %get3A_6 {offsets = [24, 0, 0], sizes = [1, 3, 1024], strides = [1, 1, 1]} : vector<32x3x1024xf32> to vector<1x3x1024xf32>
    %squeeze3A_683 = vector.shape_cast %slice3A_682 : vector<1x3x1024xf32> to vector<3x1024xf32>
    %mul3A_684 = arith.mulf %squeeze3A_681, %squeeze3A_681 : vector<128x3xf32>
    %reduce_sum3A_685 = arith.constant dense<0.000000e+00> : vector<128xf32>
    %reduce_sum3A_686 = vector.multi_reduction <add>, %mul3A_684, %reduce_sum3A_685 [1] : vector<128x3xf32> to vector<128xf32>
    %broadcast_in_dim3A_687 = vector.shape_cast %reduce_sum3A_686 : vector<128xf32> to vector<128x1xf32>
    %mul3A_688 = arith.constant 2.500000e-01 : f32
    %mul3A_689 = vector.broadcast %mul3A_688 : f32 to vector<128x1xf32>
    %mul3A_690 = arith.mulf %mul3A_689, %broadcast_in_dim3A_687 : vector<128x1xf32>
    %mul3A_691 = arith.mulf %squeeze3A_683, %squeeze3A_683 : vector<3x1024xf32>
    %reduce_sum3A_692 = arith.constant dense<0.000000e+00> : vector<1024xf32>
    %reduce_sum3A_693 = vector.multi_reduction <add>, %mul3A_691, %reduce_sum3A_692 [0] : vector<3x1024xf32> to vector<1024xf32>
    %broadcast_in_dim3A_694 = vector.shape_cast %reduce_sum3A_693 : vector<1024xf32> to vector<1x1024xf32>
    %dot_general3A_695 = arith.constant dense<0.000000e+00> : vector<128x1024xf32>
    %dot_general3A_696 = tpu.matmul %squeeze3A_681, %squeeze3A_683, %dot_general3A_695 {dimension_numbers = #tpu.dot_dimension_numbers<[1], [0], [0], [1], [0, 0, 1, 1], [], []>, transpose_lhs_hint = false} : vector<128x3xf32>, vector<3x1024xf32>, vector<128x1024xf32> -> vector<128x1024xf32>
    %add3A_697 = vector.broadcast %mul3A_690 : vector<128x1xf32> to vector<128x1024xf32>
    %add3A_698 = vector.broadcast %broadcast_in_dim3A_694 : vector<1x1024xf32> to vector<128x1024xf32>
    %add3A_699 = arith.addf %add3A_697, %add3A_698 : vector<128x1024xf32>
    %add3A_700 = arith.addf %add3A_699, %dot_general3A_696 : vector<128x1024xf32>
    %slice3A_701 = vector.extract_strided_slice %get3A_2 {offsets = [0, 25, 0], sizes = [128, 1, 3], strides = [1, 1, 1]} : vector<128x32x3xf32> to vector<128x1x3xf32>
    %squeeze3A_702 = vector.shape_cast %slice3A_701 : vector<128x1x3xf32> to vector<128x3xf32>
    %slice3A_703 = vector.extract_strided_slice %get3A_6 {offsets = [25, 0, 0], sizes = [1, 3, 1024], strides = [1, 1, 1]} : vector<32x3x1024xf32> to vector<1x3x1024xf32>
    %squeeze3A_704 = vector.shape_cast %slice3A_703 : vector<1x3x1024xf32> to vector<3x1024xf32>
    %mul3A_705 = arith.mulf %squeeze3A_702, %squeeze3A_702 : vector<128x3xf32>
    %reduce_sum3A_706 = arith.constant dense<0.000000e+00> : vector<128xf32>
    %reduce_sum3A_707 = vector.multi_reduction <add>, %mul3A_705, %reduce_sum3A_706 [1] : vector<128x3xf32> to vector<128xf32>
    %broadcast_in_dim3A_708 = vector.shape_cast %reduce_sum3A_707 : vector<128xf32> to vector<128x1xf32>
    %mul3A_709 = arith.constant 2.500000e-01 : f32
    %mul3A_710 = vector.broadcast %mul3A_709 : f32 to vector<128x1xf32>
    %mul3A_711 = arith.mulf %mul3A_710, %broadcast_in_dim3A_708 : vector<128x1xf32>
    %mul3A_712 = arith.mulf %squeeze3A_704, %squeeze3A_704 : vector<3x1024xf32>
    %reduce_sum3A_713 = arith.constant dense<0.000000e+00> : vector<1024xf32>
    %reduce_sum3A_714 = vector.multi_reduction <add>, %mul3A_712, %reduce_sum3A_713 [0] : vector<3x1024xf32> to vector<1024xf32>
    %broadcast_in_dim3A_715 = vector.shape_cast %reduce_sum3A_714 : vector<1024xf32> to vector<1x1024xf32>
    %dot_general3A_716 = arith.constant dense<0.000000e+00> : vector<128x1024xf32>
    %dot_general3A_717 = tpu.matmul %squeeze3A_702, %squeeze3A_704, %dot_general3A_716 {dimension_numbers = #tpu.dot_dimension_numbers<[1], [0], [0], [1], [0, 0, 1, 1], [], []>, transpose_lhs_hint = false} : vector<128x3xf32>, vector<3x1024xf32>, vector<128x1024xf32> -> vector<128x1024xf32>
    %add3A_718 = vector.broadcast %mul3A_711 : vector<128x1xf32> to vector<128x1024xf32>
    %add3A_719 = vector.broadcast %broadcast_in_dim3A_715 : vector<1x1024xf32> to vector<128x1024xf32>
    %add3A_720 = arith.addf %add3A_718, %add3A_719 : vector<128x1024xf32>
    %add3A_721 = arith.addf %add3A_720, %dot_general3A_717 : vector<128x1024xf32>
    %slice3A_722 = vector.extract_strided_slice %get3A_2 {offsets = [0, 26, 0], sizes = [128, 1, 3], strides = [1, 1, 1]} : vector<128x32x3xf32> to vector<128x1x3xf32>
    %squeeze3A_723 = vector.shape_cast %slice3A_722 : vector<128x1x3xf32> to vector<128x3xf32>
    %slice3A_724 = vector.extract_strided_slice %get3A_6 {offsets = [26, 0, 0], sizes = [1, 3, 1024], strides = [1, 1, 1]} : vector<32x3x1024xf32> to vector<1x3x1024xf32>
    %squeeze3A_725 = vector.shape_cast %slice3A_724 : vector<1x3x1024xf32> to vector<3x1024xf32>
    %mul3A_726 = arith.mulf %squeeze3A_723, %squeeze3A_723 : vector<128x3xf32>
    %reduce_sum3A_727 = arith.constant dense<0.000000e+00> : vector<128xf32>
    %reduce_sum3A_728 = vector.multi_reduction <add>, %mul3A_726, %reduce_sum3A_727 [1] : vector<128x3xf32> to vector<128xf32>
    %broadcast_in_dim3A_729 = vector.shape_cast %reduce_sum3A_728 : vector<128xf32> to vector<128x1xf32>
    %mul3A_730 = arith.constant 2.500000e-01 : f32
    %mul3A_731 = vector.broadcast %mul3A_730 : f32 to vector<128x1xf32>
    %mul3A_732 = arith.mulf %mul3A_731, %broadcast_in_dim3A_729 : vector<128x1xf32>
    %mul3A_733 = arith.mulf %squeeze3A_725, %squeeze3A_725 : vector<3x1024xf32>
    %reduce_sum3A_734 = arith.constant dense<0.000000e+00> : vector<1024xf32>
    %reduce_sum3A_735 = vector.multi_reduction <add>, %mul3A_733, %reduce_sum3A_734 [0] : vector<3x1024xf32> to vector<1024xf32>
    %broadcast_in_dim3A_736 = vector.shape_cast %reduce_sum3A_735 : vector<1024xf32> to vector<1x1024xf32>
    %dot_general3A_737 = arith.constant dense<0.000000e+00> : vector<128x1024xf32>
    %dot_general3A_738 = tpu.matmul %squeeze3A_723, %squeeze3A_725, %dot_general3A_737 {dimension_numbers = #tpu.dot_dimension_numbers<[1], [0], [0], [1], [0, 0, 1, 1], [], []>, transpose_lhs_hint = false} : vector<128x3xf32>, vector<3x1024xf32>, vector<128x1024xf32> -> vector<128x1024xf32>
    %add3A_739 = vector.broadcast %mul3A_732 : vector<128x1xf32> to vector<128x1024xf32>
    %add3A_740 = vector.broadcast %broadcast_in_dim3A_736 : vector<1x1024xf32> to vector<128x1024xf32>
    %add3A_741 = arith.addf %add3A_739, %add3A_740 : vector<128x1024xf32>
    %add3A_742 = arith.addf %add3A_741, %dot_general3A_738 : vector<128x1024xf32>
    %slice3A_743 = vector.extract_strided_slice %get3A_2 {offsets = [0, 27, 0], sizes = [128, 1, 3], strides = [1, 1, 1]} : vector<128x32x3xf32> to vector<128x1x3xf32>
    %squeeze3A_744 = vector.shape_cast %slice3A_743 : vector<128x1x3xf32> to vector<128x3xf32>
    %slice3A_745 = vector.extract_strided_slice %get3A_6 {offsets = [27, 0, 0], sizes = [1, 3, 1024], strides = [1, 1, 1]} : vector<32x3x1024xf32> to vector<1x3x1024xf32>
    %squeeze3A_746 = vector.shape_cast %slice3A_745 : vector<1x3x1024xf32> to vector<3x1024xf32>
    %mul3A_747 = arith.mulf %squeeze3A_744, %squeeze3A_744 : vector<128x3xf32>
    %reduce_sum3A_748 = arith.constant dense<0.000000e+00> : vector<128xf32>
    %reduce_sum3A_749 = vector.multi_reduction <add>, %mul3A_747, %reduce_sum3A_748 [1] : vector<128x3xf32> to vector<128xf32>
    %broadcast_in_dim3A_750 = vector.shape_cast %reduce_sum3A_749 : vector<128xf32> to vector<128x1xf32>
    %mul3A_751 = arith.constant 2.500000e-01 : f32
    %mul3A_752 = vector.broadcast %mul3A_751 : f32 to vector<128x1xf32>
    %mul3A_753 = arith.mulf %mul3A_752, %broadcast_in_dim3A_750 : vector<128x1xf32>
    %mul3A_754 = arith.mulf %squeeze3A_746, %squeeze3A_746 : vector<3x1024xf32>
    %reduce_sum3A_755 = arith.constant dense<0.000000e+00> : vector<1024xf32>
    %reduce_sum3A_756 = vector.multi_reduction <add>, %mul3A_754, %reduce_sum3A_755 [0] : vector<3x1024xf32> to vector<1024xf32>
    %broadcast_in_dim3A_757 = vector.shape_cast %reduce_sum3A_756 : vector<1024xf32> to vector<1x1024xf32>
    %dot_general3A_758 = arith.constant dense<0.000000e+00> : vector<128x1024xf32>
    %dot_general3A_759 = tpu.matmul %squeeze3A_744, %squeeze3A_746, %dot_general3A_758 {dimension_numbers = #tpu.dot_dimension_numbers<[1], [0], [0], [1], [0, 0, 1, 1], [], []>, transpose_lhs_hint = false} : vector<128x3xf32>, vector<3x1024xf32>, vector<128x1024xf32> -> vector<128x1024xf32>
    %add3A_760 = vector.broadcast %mul3A_753 : vector<128x1xf32> to vector<128x1024xf32>
    %add3A_761 = vector.broadcast %broadcast_in_dim3A_757 : vector<1x1024xf32> to vector<128x1024xf32>
    %add3A_762 = arith.addf %add3A_760, %add3A_761 : vector<128x1024xf32>
    %add3A_763 = arith.addf %add3A_762, %dot_general3A_759 : vector<128x1024xf32>
    %slice3A_764 = vector.extract_strided_slice %get3A_2 {offsets = [0, 28, 0], sizes = [128, 1, 3], strides = [1, 1, 1]} : vector<128x32x3xf32> to vector<128x1x3xf32>
    %squeeze3A_765 = vector.shape_cast %slice3A_764 : vector<128x1x3xf32> to vector<128x3xf32>
    %slice3A_766 = vector.extract_strided_slice %get3A_6 {offsets = [28, 0, 0], sizes = [1, 3, 1024], strides = [1, 1, 1]} : vector<32x3x1024xf32> to vector<1x3x1024xf32>
    %squeeze3A_767 = vector.shape_cast %slice3A_766 : vector<1x3x1024xf32> to vector<3x1024xf32>
    %mul3A_768 = arith.mulf %squeeze3A_765, %squeeze3A_765 : vector<128x3xf32>
    %reduce_sum3A_769 = arith.constant dense<0.000000e+00> : vector<128xf32>
    %reduce_sum3A_770 = vector.multi_reduction <add>, %mul3A_768, %reduce_sum3A_769 [1] : vector<128x3xf32> to vector<128xf32>
    %broadcast_in_dim3A_771 = vector.shape_cast %reduce_sum3A_770 : vector<128xf32> to vector<128x1xf32>
    %mul3A_772 = arith.constant 2.500000e-01 : f32
    %mul3A_773 = vector.broadcast %mul3A_772 : f32 to vector<128x1xf32>
    %mul3A_774 = arith.mulf %mul3A_773, %broadcast_in_dim3A_771 : vector<128x1xf32>
    %mul3A_775 = arith.mulf %squeeze3A_767, %squeeze3A_767 : vector<3x1024xf32>
    %reduce_sum3A_776 = arith.constant dense<0.000000e+00> : vector<1024xf32>
    %reduce_sum3A_777 = vector.multi_reduction <add>, %mul3A_775, %reduce_sum3A_776 [0] : vector<3x1024xf32> to vector<1024xf32>
    %broadcast_in_dim3A_778 = vector.shape_cast %reduce_sum3A_777 : vector<1024xf32> to vector<1x1024xf32>
    %dot_general3A_779 = arith.constant dense<0.000000e+00> : vector<128x1024xf32>
    %dot_general3A_780 = tpu.matmul %squeeze3A_765, %squeeze3A_767, %dot_general3A_779 {dimension_numbers = #tpu.dot_dimension_numbers<[1], [0], [0], [1], [0, 0, 1, 1], [], []>, transpose_lhs_hint = false} : vector<128x3xf32>, vector<3x1024xf32>, vector<128x1024xf32> -> vector<128x1024xf32>
    %add3A_781 = vector.broadcast %mul3A_774 : vector<128x1xf32> to vector<128x1024xf32>
    %add3A_782 = vector.broadcast %broadcast_in_dim3A_778 : vector<1x1024xf32> to vector<128x1024xf32>
    %add3A_783 = arith.addf %add3A_781, %add3A_782 : vector<128x1024xf32>
    %add3A_784 = arith.addf %add3A_783, %dot_general3A_780 : vector<128x1024xf32>
    %slice3A_785 = vector.extract_strided_slice %get3A_2 {offsets = [0, 29, 0], sizes = [128, 1, 3], strides = [1, 1, 1]} : vector<128x32x3xf32> to vector<128x1x3xf32>
    %squeeze3A_786 = vector.shape_cast %slice3A_785 : vector<128x1x3xf32> to vector<128x3xf32>
    %slice3A_787 = vector.extract_strided_slice %get3A_6 {offsets = [29, 0, 0], sizes = [1, 3, 1024], strides = [1, 1, 1]} : vector<32x3x1024xf32> to vector<1x3x1024xf32>
    %squeeze3A_788 = vector.shape_cast %slice3A_787 : vector<1x3x1024xf32> to vector<3x1024xf32>
    %mul3A_789 = arith.mulf %squeeze3A_786, %squeeze3A_786 : vector<128x3xf32>
    %reduce_sum3A_790 = arith.constant dense<0.000000e+00> : vector<128xf32>
    %reduce_sum3A_791 = vector.multi_reduction <add>, %mul3A_789, %reduce_sum3A_790 [1] : vector<128x3xf32> to vector<128xf32>
    %broadcast_in_dim3A_792 = vector.shape_cast %reduce_sum3A_791 : vector<128xf32> to vector<128x1xf32>
    %mul3A_793 = arith.constant 2.500000e-01 : f32
    %mul3A_794 = vector.broadcast %mul3A_793 : f32 to vector<128x1xf32>
    %mul3A_795 = arith.mulf %mul3A_794, %broadcast_in_dim3A_792 : vector<128x1xf32>
    %mul3A_796 = arith.mulf %squeeze3A_788, %squeeze3A_788 : vector<3x1024xf32>
    %reduce_sum3A_797 = arith.constant dense<0.000000e+00> : vector<1024xf32>
    %reduce_sum3A_798 = vector.multi_reduction <add>, %mul3A_796, %reduce_sum3A_797 [0] : vector<3x1024xf32> to vector<1024xf32>
    %broadcast_in_dim3A_799 = vector.shape_cast %reduce_sum3A_798 : vector<1024xf32> to vector<1x1024xf32>
    %dot_general3A_800 = arith.constant dense<0.000000e+00> : vector<128x1024xf32>
    %dot_general3A_801 = tpu.matmul %squeeze3A_786, %squeeze3A_788, %dot_general3A_800 {dimension_numbers = #tpu.dot_dimension_numbers<[1], [0], [0], [1], [0, 0, 1, 1], [], []>, transpose_lhs_hint = false} : vector<128x3xf32>, vector<3x1024xf32>, vector<128x1024xf32> -> vector<128x1024xf32>
    %add3A_802 = vector.broadcast %mul3A_795 : vector<128x1xf32> to vector<128x1024xf32>
    %add3A_803 = vector.broadcast %broadcast_in_dim3A_799 : vector<1x1024xf32> to vector<128x1024xf32>
    %add3A_804 = arith.addf %add3A_802, %add3A_803 : vector<128x1024xf32>
    %add3A_805 = arith.addf %add3A_804, %dot_general3A_801 : vector<128x1024xf32>
    %slice3A_806 = vector.extract_strided_slice %get3A_2 {offsets = [0, 30, 0], sizes = [128, 1, 3], strides = [1, 1, 1]} : vector<128x32x3xf32> to vector<128x1x3xf32>
    %squeeze3A_807 = vector.shape_cast %slice3A_806 : vector<128x1x3xf32> to vector<128x3xf32>
    %slice3A_808 = vector.extract_strided_slice %get3A_6 {offsets = [30, 0, 0], sizes = [1, 3, 1024], strides = [1, 1, 1]} : vector<32x3x1024xf32> to vector<1x3x1024xf32>
    %squeeze3A_809 = vector.shape_cast %slice3A_808 : vector<1x3x1024xf32> to vector<3x1024xf32>
    %mul3A_810 = arith.mulf %squeeze3A_807, %squeeze3A_807 : vector<128x3xf32>
    %reduce_sum3A_811 = arith.constant dense<0.000000e+00> : vector<128xf32>
    %reduce_sum3A_812 = vector.multi_reduction <add>, %mul3A_810, %reduce_sum3A_811 [1] : vector<128x3xf32> to vector<128xf32>
    %broadcast_in_dim3A_813 = vector.shape_cast %reduce_sum3A_812 : vector<128xf32> to vector<128x1xf32>
    %mul3A_814 = arith.constant 2.500000e-01 : f32
    %mul3A_815 = vector.broadcast %mul3A_814 : f32 to vector<128x1xf32>
    %mul3A_816 = arith.mulf %mul3A_815, %broadcast_in_dim3A_813 : vector<128x1xf32>
    %mul3A_817 = arith.mulf %squeeze3A_809, %squeeze3A_809 : vector<3x1024xf32>
    %reduce_sum3A_818 = arith.constant dense<0.000000e+00> : vector<1024xf32>
    %reduce_sum3A_819 = vector.multi_reduction <add>, %mul3A_817, %reduce_sum3A_818 [0] : vector<3x1024xf32> to vector<1024xf32>
    %broadcast_in_dim3A_820 = vector.shape_cast %reduce_sum3A_819 : vector<1024xf32> to vector<1x1024xf32>
    %dot_general3A_821 = arith.constant dense<0.000000e+00> : vector<128x1024xf32>
    %dot_general3A_822 = tpu.matmul %squeeze3A_807, %squeeze3A_809, %dot_general3A_821 {dimension_numbers = #tpu.dot_dimension_numbers<[1], [0], [0], [1], [0, 0, 1, 1], [], []>, transpose_lhs_hint = false} : vector<128x3xf32>, vector<3x1024xf32>, vector<128x1024xf32> -> vector<128x1024xf32>
    %add3A_823 = vector.broadcast %mul3A_816 : vector<128x1xf32> to vector<128x1024xf32>
    %add3A_824 = vector.broadcast %broadcast_in_dim3A_820 : vector<1x1024xf32> to vector<128x1024xf32>
    %add3A_825 = arith.addf %add3A_823, %add3A_824 : vector<128x1024xf32>
    %add3A_826 = arith.addf %add3A_825, %dot_general3A_822 : vector<128x1024xf32>
    %slice3A_827 = vector.extract_strided_slice %get3A_2 {offsets = [0, 31, 0], sizes = [128, 1, 3], strides = [1, 1, 1]} : vector<128x32x3xf32> to vector<128x1x3xf32>
    %squeeze3A_828 = vector.shape_cast %slice3A_827 : vector<128x1x3xf32> to vector<128x3xf32>
    %slice3A_829 = vector.extract_strided_slice %get3A_6 {offsets = [31, 0, 0], sizes = [1, 3, 1024], strides = [1, 1, 1]} : vector<32x3x1024xf32> to vector<1x3x1024xf32>
    %squeeze3A_830 = vector.shape_cast %slice3A_829 : vector<1x3x1024xf32> to vector<3x1024xf32>
    %mul3A_831 = arith.mulf %squeeze3A_828, %squeeze3A_828 : vector<128x3xf32>
    %reduce_sum3A_832 = arith.constant dense<0.000000e+00> : vector<128xf32>
    %reduce_sum3A_833 = vector.multi_reduction <add>, %mul3A_831, %reduce_sum3A_832 [1] : vector<128x3xf32> to vector<128xf32>
    %broadcast_in_dim3A_834 = vector.shape_cast %reduce_sum3A_833 : vector<128xf32> to vector<128x1xf32>
    %mul3A_835 = arith.constant 2.500000e-01 : f32
    %mul3A_836 = vector.broadcast %mul3A_835 : f32 to vector<128x1xf32>
    %mul3A_837 = arith.mulf %mul3A_836, %broadcast_in_dim3A_834 : vector<128x1xf32>
    %mul3A_838 = arith.mulf %squeeze3A_830, %squeeze3A_830 : vector<3x1024xf32>
    %reduce_sum3A_839 = arith.constant dense<0.000000e+00> : vector<1024xf32>
    %reduce_sum3A_840 = vector.multi_reduction <add>, %mul3A_838, %reduce_sum3A_839 [0] : vector<3x1024xf32> to vector<1024xf32>
    %broadcast_in_dim3A_841 = vector.shape_cast %reduce_sum3A_840 : vector<1024xf32> to vector<1x1024xf32>
    %dot_general3A_842 = arith.constant dense<0.000000e+00> : vector<128x1024xf32>
    %dot_general3A_843 = tpu.matmul %squeeze3A_828, %squeeze3A_830, %dot_general3A_842 {dimension_numbers = #tpu.dot_dimension_numbers<[1], [0], [0], [1], [0, 0, 1, 1], [], []>, transpose_lhs_hint = false} : vector<128x3xf32>, vector<3x1024xf32>, vector<128x1024xf32> -> vector<128x1024xf32>
    %add3A_844 = vector.broadcast %mul3A_837 : vector<128x1xf32> to vector<128x1024xf32>
    %add3A_845 = vector.broadcast %broadcast_in_dim3A_841 : vector<1x1024xf32> to vector<128x1024xf32>
    %add3A_846 = arith.addf %add3A_844, %add3A_845 : vector<128x1024xf32>
    %add3A_847 = arith.addf %add3A_846, %dot_general3A_843 : vector<128x1024xf32>
    %max3A_848 = arith.maximumf %add3A_700, %add3A_721 : vector<128x1024xf32>
    %min3A_849 = arith.minimumf %add3A_700, %add3A_721 : vector<128x1024xf32>
    %max3A_850 = arith.maximumf %add3A_742, %add3A_763 : vector<128x1024xf32>
    %min3A_851 = arith.minimumf %add3A_742, %add3A_763 : vector<128x1024xf32>
    %max3A_852 = arith.maximumf %add3A_784, %add3A_805 : vector<128x1024xf32>
    %min3A_853 = arith.minimumf %add3A_784, %add3A_805 : vector<128x1024xf32>
    %max3A_854 = arith.maximumf %add3A_826, %add3A_847 : vector<128x1024xf32>
    %min3A_855 = arith.minimumf %add3A_826, %add3A_847 : vector<128x1024xf32>
    %max3A_856 = arith.maximumf %max3A_848, %max3A_850 : vector<128x1024xf32>
    %min3A_857 = arith.minimumf %max3A_848, %max3A_850 : vector<128x1024xf32>
    %max3A_858 = arith.maximumf %min3A_849, %min3A_851 : vector<128x1024xf32>
    %min3A_859 = arith.minimumf %min3A_849, %min3A_851 : vector<128x1024xf32>
    %max3A_860 = arith.maximumf %max3A_852, %max3A_854 : vector<128x1024xf32>
    %min3A_861 = arith.minimumf %max3A_852, %max3A_854 : vector<128x1024xf32>
    %max3A_862 = arith.maximumf %min3A_853, %min3A_855 : vector<128x1024xf32>
    %min3A_863 = arith.minimumf %min3A_853, %min3A_855 : vector<128x1024xf32>
    %max3A_864 = arith.maximumf %max3A_858, %min3A_857 : vector<128x1024xf32>
    %min3A_865 = arith.minimumf %max3A_858, %min3A_857 : vector<128x1024xf32>
    %max3A_866 = arith.maximumf %max3A_862, %min3A_861 : vector<128x1024xf32>
    %min3A_867 = arith.minimumf %max3A_862, %min3A_861 : vector<128x1024xf32>
    %max3A_868 = arith.maximumf %max3A_856, %max3A_860 : vector<128x1024xf32>
    %min3A_869 = arith.minimumf %max3A_856, %max3A_860 : vector<128x1024xf32>
    %max3A_870 = arith.maximumf %min3A_859, %min3A_863 : vector<128x1024xf32>
    %min3A_871 = arith.minimumf %min3A_859, %min3A_863 : vector<128x1024xf32>
    %max3A_872 = arith.maximumf %max3A_864, %max3A_866 : vector<128x1024xf32>
    %min3A_873 = arith.minimumf %max3A_864, %max3A_866 : vector<128x1024xf32>
    %max3A_874 = arith.maximumf %min3A_865, %min3A_867 : vector<128x1024xf32>
    %min3A_875 = arith.minimumf %min3A_865, %min3A_867 : vector<128x1024xf32>
    %max3A_876 = arith.maximumf %max3A_872, %min3A_869 : vector<128x1024xf32>
    %min3A_877 = arith.minimumf %max3A_872, %min3A_869 : vector<128x1024xf32>
    %max3A_878 = arith.maximumf %max3A_870, %min3A_875 : vector<128x1024xf32>
    %min3A_879 = arith.minimumf %max3A_870, %min3A_875 : vector<128x1024xf32>
    %max3A_880 = arith.maximumf %max3A_874, %min3A_877 : vector<128x1024xf32>
    %min3A_881 = arith.minimumf %max3A_874, %min3A_877 : vector<128x1024xf32>
    %max3A_882 = arith.maximumf %max3A_878, %min3A_873 : vector<128x1024xf32>
    %min3A_883 = arith.minimumf %max3A_878, %min3A_873 : vector<128x1024xf32>
    %max3A_884 = arith.maximumf %max3A_882, %min3A_881 : vector<128x1024xf32>
    %min3A_885 = arith.minimumf %max3A_882, %min3A_881 : vector<128x1024xf32>
    %max3A_886 = arith.maximumf %max3A_672, %min3A_871 : vector<128x1024xf32>
    %max3A_887 = arith.maximumf %min3A_673, %min3A_879 : vector<128x1024xf32>
    %max3A_888 = arith.maximumf %max3A_674, %min3A_883 : vector<128x1024xf32>
    %max3A_889 = arith.maximumf %min3A_675, %min3A_885 : vector<128x1024xf32>
    %max3A_890 = arith.maximumf %max3A_676, %max3A_884 : vector<128x1024xf32>
    %max3A_891 = arith.maximumf %min3A_677, %max3A_880 : vector<128x1024xf32>
    %max3A_892 = arith.maximumf %max3A_678, %max3A_876 : vector<128x1024xf32>
    %max3A_893 = arith.maximumf %min3A_679, %max3A_868 : vector<128x1024xf32>
    %min3A_894 = arith.minimumf %max3A_886, %max3A_887 : vector<128x1024xf32>
    %min3A_895 = arith.minimumf %min3A_894, %max3A_888 : vector<128x1024xf32>
    %min3A_896 = arith.minimumf %min3A_895, %max3A_889 : vector<128x1024xf32>
    %min3A_897 = arith.minimumf %min3A_896, %max3A_890 : vector<128x1024xf32>
    %min3A_898 = arith.minimumf %min3A_897, %max3A_891 : vector<128x1024xf32>
    %min3A_899 = arith.minimumf %min3A_898, %max3A_892 : vector<128x1024xf32>
    %min3A_900 = arith.minimumf %min3A_899, %max3A_893 : vector<128x1024xf32>
    %jit3A = arith.constant 0.000000e+00 : f32
    %max3A_901 = vector.broadcast %jit3A : f32 to vector<128x1024xf32>
    %max3A_902 = arith.maximumf %max3A_901, %min3A_900 : vector<128x1024xf32>
    %add3A_903 = arith.constant 9.99999996E-13 : f32
    %add3A_904 = vector.broadcast %add3A_903 : f32 to vector<128x1024xf32>
    %add3A_905 = arith.addf %max3A_902, %add3A_904 : vector<128x1024xf32>
    %sqrt3A = math.sqrt %add3A_905 : vector<128x1024xf32>
    %swap3A = arith.constant 0 : index
    %swap3A_906 = arith.constant 0 : index
    %swap3A_907 = vector.load %arg4[%swap3A, %swap3A_906] : memref<128x1024xf32, #tpu.memory_space<vmem>>, vector<128x1024xf32>
    tpu.vector_store %arg4[%swap3A, %swap3A_906], %sqrt3A {strides = array<i32>} : memref<128x1024xf32, #tpu.memory_space<vmem>>, vector<128x1024xf32>,
    return
  }
  func.func @transform_0(%arg0: i32, %arg1: i32) -> (i32, i32, i32) {
    %c0_i32 = arith.constant 0 : i32
    %c0_i32_0 = arith.constant 0 : i32
    %c0_i32_1 = arith.constant 0 : i32
    return %arg0, %c0_i32, %c0_i32_0 : i32, i32, i32
  }
  func.func @transform_1(%arg0: i32, %arg1: i32) -> (i32, i32, i32) {
    %c0_i32 = arith.constant 0 : i32
    %c0_i32_0 = arith.constant 0 : i32
    %c0_i32_1 = arith.constant 0 : i32
    return %c0_i32, %c0_i32_0, %arg1 : i32, i32, i32
  }
  func.func @transform_2(%arg0: i32, %arg1: i32) -> (i32, i32) {
    %c0_i32 = arith.constant 0 : i32
    return %arg0, %arg1 : i32, i32
  }
}

</mosaic_0001>

<sc_bundles>
// kernel: kernel.5.cloned.1.call-start
scs
__scs_entry_jumppad:
0x0: {  	(pc) =	sbr.rel $0x88, $3  }
0x1: {  	(tag) =	ssettag $0x0;
	lr =	simm.s32 $0x1  }
0x2: {  	[smem:$0x3F9F] =	sst lr;
	_ =	strace $0xD0000000  }
0x3: {  	_ = 	snop  }
0x4: {  	_ = 	snop  }
0x5: {  	_ = 	snop  }
0x6: {  	_ = 	snop  }
0x7: {  	_ = 	snop  }
__scs_overlays_trampoline_lowered:
0x8: {  	[smem:$0x3FAE] =	sst s0  }
0x9: {  	[smem:$0x3FAF] =	sst s1  }
0xa: {  	[smem:$0x3FB0] =	sst s2  }
0xb: {  	[smem:$0x3FB1] =	sst s3  }
0xc: {  	[smem:$0x3FB2] =	sst s4  }
0xd: {  	[smem:$0x3FB3] =	sst s5  }
0xe: {  	[smem:$0x3FB4] =	sst s6  }
0xf: {  	[smem:$0x3FB5] =	sst s7  }
0x10: {  	[smem:$0x3FB6] =	sst s8  }
0x11: {  	[smem:$0x3FB7] =	sst s9;
	s0 =	simm.s32 @!p0 $0x0  }
0x12: {  	s1 =	sld [smem:$0x3F9D];
	s0 =	simm.s32 @p0 $0x1  }
0x13: {  	[smem:$0x3FB8] =	sst s0;
	s0 =	simm.s32 @!p1 $0x0  }
0x14: {  	s2 =	sld [smem:$0x3F9C];
	s0 =	simm.s32 @p1 $0x1  }
0x15: {  	[smem:$0x3FB9] =	sst s0;
	s0 =	simm.s32 @!p2 $0x0  }
0x16: {  	s3 =	sld [smem:$0x3FDB];
	s0 =	simm.s32 @p2 $0x1  }
0x17: {  	s4 =	simm.s32 $0x1BF5;
	[smem:$0x3FBB] =	sst s0  }
0x18: {  	s0 =	sld [smem:$0x3F9E];
	_ =	swait.ge [sflag:s4], $0x0  }
0x19: {  	s7 =	sld [smem:$0x3F9F]  }
0x1a: {  	s8 =	sadd.s32 $0xFFFFE003, lr  }
0x1b: {  	s9 =	sadd.s32 $0xFFFFFEF7, lr;
	s5 =	simm.s32 $0xFFFFFFFF;
	p2 =	slt.u32 s8, $0xFFFFF086  }
0x1c: {  	p1 =	slt.u32 s9, $0xF7A;
	s5 =	simm.s32 @!p2 $0x0  }
0x1d: {  	s5 =	simm.s32 @p1 $0x1;
	p0 =	seq.s32 s7, s2  }
0x1e: {  	s7 =	smul.u32 @!p0 $0xF7A, s2;
	p2 =	seq.s32 @!p0 s5, $0x0  }
0x1f: {  	s9 =	smul.u32 $0xF7A, s1;
	s8 =	simm.s32 @!p0 $0x1BF5;
	p2 =	por !p2, p0  }
0x20: {  	[sflag:s8] =	ssyncset.s32 @!p0 $0xFFFFF086;
	s6 =	sadd.s32 @!p0 s3, s7;
	s7 =	simm.s32 @!p0 $0x108  }
0x21: {  	s3 =	sadd.s32 s3, s9;
	s6 =	sadd.s32 @!p0 $0x88, s6;
	s7 =	simm.s32 @p2 $0x1082  }
0x22: {  	[simem:s7], [sflag:s8] =	dma.local @!p0 [hbm:s6], $0xF7A  }
0x23: {  	s9 =	sor.u32 $0xD0000000, s2;
	s6 =	simm.s32 $0x108;
	_ =	swait.ge @!p0 [sflag:s8], $0x0  }
0x24: {  	s3 =	sadd.s32 $0x88, s3;
	s6 =	simm.s32 @!p1 $0x1082;
	[sflag:s4] =	ssyncset.s32 $0xFFFFF086  }
0x25: {  	[simem:s6], [sflag:s4] =	dma.local [hbm:s3], $0xF7A  }
0x26: {  	[smem:$0x3F9F] =	sst s1;
	(tag) =	ssettag s2;
	_ =	strace s9  }
0x27: {  	s1 =	sld [smem:$0x3FAF]  }
0x28: {  	s2 =	sld [smem:$0x3FB0]  }
0x29: {  	s4 =	sld [smem:$0x3FB2]  }
0x2a: {  	p0 =	seq.s32 s5, $0x0;
	s5 =	sld [smem:$0x3FB3]  }
0x2b: {  	s6 =	sld [smem:$0x3FB4]  }
0x2c: {  	s7 =	sld [smem:$0x3FB5]  }
0x2d: {  	s3 =	simm.s32 $0x108;
	s8 =	sld [smem:$0x3FB6]  }
0x2e: {  	s3 =	simm.s32 @!p0 $0x1082;
	s9 =	sld [smem:$0x3FB7]  }
0x2f: {  	lr =	sadd.s32 s0, s3;
	s0 =	sld [smem:$0x3FAE]  }
0x30: {  	s3 =	sld [smem:$0x3FB1]  }
0x31: {  	[smem:$0x3FBA] =	sst s10  }
0x32: {  	s10 =	sld [smem:$0x3FB8];
	_ =	sdelay $0x3  }
0x33: {  	p0 =	seq.s32 s10, $0x1;
	s10 =	sld [smem:$0x3FBA];
	_ =	sdelay $0x3  }
0x34: {  	[smem:$0x3FBA] =	sst s10  }
0x35: {  	s10 =	sld [smem:$0x3FB9];
	_ =	sdelay $0x3  }
0x36: {  	p1 =	seq.s32 s10, $0x1;
	s10 =	sld [smem:$0x3FBA];
	_ =	sdelay $0x3  }
0x37: {  	[smem:$0x3FBA] =	sst s10  }
0x38: {  	s10 =	sld [smem:$0x3FBB]  }
0x39: {  	_ = 	snop;
	(pc) =	sbr.ind lr, $3  }
0x3a: {  	_ = 	snop  }
0x3b: {  	_ = 	snop  }
0x3c: {  	p2 =	seq.s32 s10, $0x1;
	s10 =	sld [smem:$0x3FBA]  }
0x3d: {  	_ =	shalt  }
0x3e: {  	_ =	shalt  }
0x3f: {  	_ =	shalt  }
0x40: {  	_ =	shalt  }
0x41: {  	_ =	shalt  }
0x42: {  	_ =	shalt  }
0x43: {  	_ =	shalt  }
0x44: {  	_ =	shalt  }
0x45: {  	_ =	shalt  }
0x46: {  	_ =	shalt  }
0x47: {  	_ =	shalt  }
0x48: {  	_ =	shalt  }
0x49: {  	_ =	shalt  }
0x4a: {  	_ =	shalt  }
0x4b: {  	_ =	shalt  }
0x4c: {  	_ =	shalt  }
0x4d: {  	_ =	shalt  }
0x4e: {  	_ =	shalt  }
0x4f: {  	_ =	shalt  }
0x50: {  	_ =	shalt  }
0x51: {  	_ =	shalt  }
0x52: {  	_ =	shalt  }
0x53: {  	_ =	shalt  }
0x54: {  	_ =	shalt  }
0x55: {  	_ =	shalt  }
0x56: {  	_ =	shalt  }
0x57: {  	_ =	shalt  }
0x58: {  	_ =	shalt  }
0x59: {  	_ =	shalt  }
0x5a: {  	_ =	shalt  }
0x5b: {  	_ =	shalt  }
0x5c: {  	_ =	shalt  }
0x5d: {  	_ =	shalt  }
0x5e: {  	_ =	shalt  }
0x5f: {  	_ =	shalt  }
0x60: {  	_ =	shalt  }
0x61: {  	_ =	shalt  }
0x62: {  	_ =	shalt  }
0x63: {  	_ =	shalt  }
0x64: {  	_ =	shalt  }
0x65: {  	_ =	shalt  }
0x66: {  	_ =	shalt  }
0x67: {  	_ =	shalt  }
0x68: {  	_ =	shalt  }
0x69: {  	_ =	shalt  }
0x6a: {  	_ =	shalt  }
0x6b: {  	_ =	shalt  }
0x6c: {  	_ =	shalt  }
0x6d: {  	_ =	shalt  }
0x6e: {  	_ =	shalt  }
0x6f: {  	_ =	shalt  }
0x70: {  	_ =	shalt  }
0x71: {  	_ =	shalt  }
0x72: {  	_ =	shalt  }
0x73: {  	_ =	shalt  }
0x74: {  	_ =	shalt  }
0x75: {  	_ =	shalt  }
0x76: {  	_ =	shalt  }
0x77: {  	_ =	shalt  }
0x78: {  	_ =	shalt  }
0x79: {  	_ =	shalt  }
0x7a: {  	_ =	shalt  }
0x7b: {  	_ =	shalt  }
0x7c: {  	_ =	shalt  }
0x7d: {  	_ =	shalt  }
0x7e: {  	_ =	shalt  }
0x7f: {  	_ =	shalt  }
0x80: {  	_ =	shalt  }
0x81: {  	_ =	shalt  }
0x82: {  	_ =	shalt  }
0x83: {  	_ =	shalt  }
0x84: {  	_ =	shalt  }
0x85: {  	_ =	shalt  }
0x86: {  	_ =	shalt  }
0x87: {  	_ =	shalt  }
.Lfunc_end0:
.L_simem_size_0:
called_computation_lowered:
.L_overlay_start_0:
0x88: {  	s2 =	sld [smem:$0x3FD9]  }
0x89: {  	s3 =	sld [smem:$0x3FFE];
	_ =	sdelay $0x1  }
0x8a: {  	s1 =	srdreg.scid  }
0x8b: {  	s0 =	sand.u32 $0x1, s1  }
0x8c: {  	s16 =	sshll.u32 s0, $0xA;
	s2 =	sadd.s32 s3, s2  }
0x8d: {  	s2 =	sadd.s32 s2, s16  }
0x8e: {  	[smem:$0x3FC6] =	sst s2  }
0x8f: {  	_ = 	snop  }
0x90: {  	(tm) =	ssettm $0x1  }
0x91: {  	s17 =	sld [smem:$0x3FFB];
	_ =	sdelay $0x3  }
0x92: {  	_ =	strace s17  }
0x93: {  	s2 =	sld [smem:$0x3FFC];
	_ =	sdelay $0x3  }
0x94: {  	_ =	strace s2  }
0x95: {  	s2 =	sld [smem:$0x3FFD];
	_ =	sdelay $0x3  }
0x96: {  	_ =	strace s2  }
0x97: {  	_ =	strace $0x8FFFFFFF  }
0x98: {  	s18 =	sld [smem:$0x3FDB];
	_ =	sdelay $0x1  }
0x99: {  	s19 =	simm.s32 $_scs_section_size  }
0x9a: {  	s4 =	simm.s32 $_size__tile_overlayer_lowered;
	s5 =	simm.s32 $_tile_overlayer_lowered  }
0x9b: {  	s22 =	simm.s32 $0x1BFF;
	s21 =	sshll.u32 s5, $0x1;
	s2 =	sadd.s32 s19, s18  }
0x9c: {  	s6 =	simm.s32 $0x0;
	s20 =	sshll.u32 s4, $0x1;
	s4 =	sadd.s32 s21, s2  }
0x9d: {  	[timem:s6], [sflag:s22] =	dma.local [hbm:s4], s20  }
0x9e: {  	_ =	swait.ge [sflag:s22], s20  }
0x9f: {  	s3 =	ssub.s32 $0x0, s20;
	[sflag:s22] =	ssyncset.done $0x0  }
0xa0: {  	[sflag:s22] =	ssyncadd.s32 s3;
	_ =	sdelay $0x1  }
0xa1: {  	s23 =	simm.s32 $0x1B8B  }
0xa2: {  	_ =	swait.ge [sflag:s23], $0x1  }
0xa3: {  	[sflag:s23] =	ssyncset.done $0x0  }
0xa4: {  	s25 =	simm.s32 $0x1B8E;
	s24 =	sld [smem:$0x3FFE];
	[sflag:s23] =	ssyncadd.s32 $0xFFFFFFFF  }
0xa5: {  	s26 =	simm.s32 $execute0_lowered;
	[smem:$0x3FD2] =	sst s25  }
0xa6: {  	s4 =	sshll.u32 s26, $0x1;
	_ =	strace $0x80000046;
	[dreg:$0x1] =	wrdreg $0xFFFFFFFF  }
0xa7: {  	s28 =	simm.s32 $_size_execute0_lowered;
	s2 =	sadd.s32 s2, s4;
	[dreg:$0x0] =	wrdreg $0x0  }
0xa8: {  	s4 =	sshll.u32 s28, $0x1;
	[dreg:$0x2] =	wrdreg s2  }
0xa9: {  	[dreg:$0x3] =	wrdreg s4  }
0xaa: {  	[dreg:$0x4] =	wrdreg $0xC0  }
0xab: {  	_ =	task [dreg:s6], $0x5FFFF  }
0xac: {  	[dreg:$0x1] =	wrdreg $0xFFFFFFFF  }
0xad: {  	[dreg:$0x0] =	wrdreg $0x60  }
0xae: {  	[dreg:$0x2] =	wrdreg s24  }
0xaf: {  	[dreg:$0x3] =	wrdreg $0x9  }
0xb0: {  	_ =	task.clear_ibuf [dreg:s6], $0x4FFFF;
	_ =	strace $0x90000046  }
0xb1: {  	s29 =	simm.s32 $0x9;
	_ =	strace $0x80000048  }
0xb2: {  	_ =	swait.ge [sflag:s29], $0x1  }
0xb3: {  	[sflag:s29] =	ssyncadd.s32 $0xFFFFFFFF  }
0xb4: {  	_ =	strace $0x90000048  }
0xb5: {  	_ =	sfence  }
0xb6: {  	s30 =	sld [smem:$0x0];
	_ =	sdelay $0x2  }
0xb7: {  	s31 =	sshll.u32 s1, $0xD;
	s1 =	sshrl.u32 s1, $0x2  }
0xb8: {  	s3 =	sand.u32 $0x4000, s31;
	s1 =	sadd.s32 s1, s30  }
0xb9: {  	s0 =	sor.u32 s3, s0;
	s1 =	sshll.u32 s1, $0x11  }
0xba: {  	s0 =	sor.u32 s1, s0  }
0xbb: {  	s0 =	sadd.s32 $0x8F2B, s0  }
0xbc: {  	[sflag:s0] =	ssyncadd.remote.s32 $0x1  }
0xbd: {  	_ =	sfence.sel $0xFFFF  }
0xbe: {  	[dreg:$0x0] =	wrdreg $0xFFFFFFFF;
	(pc) =	sbr.abs _section_cstart, $3  }
0xbf: {  	[dreg:$0x1] =	wrdreg $0xFFFFFFFF  }
0xc0: {  	_ =	task.clear_ibuf [dreg:s6], $0x2FFFF;
	_ =	strace $0x9FFFFFFF  }
0xc1: {  	(tm) =	ssettm $0x7FFFFFFF  }
tec
execute0_lowered:
.L_overlay_start_1:
0x0: {  	(tag) =	ssettag $0x1  }
0x1: {  	s3 =	rddreg [dreg:$0x0]  }
0x2: {  	s0 =	rddreg [dreg:$0x1];
	s4 =	srdreg.scid  }
0x3: {  	s2 =	simm.s32 $0x0;
	s1 =	stileid.u32;
	s4 =	sand.u32 $0x1, s4  }
0x4: {  	[smem:$0x7FF] =	sst s2;
	s5 =	sshll.u32 s1, $0x5;
	s6 =	sshll.u32 s4, $0x4  }
0x5: {  	s8 =	simm.s32 $0x0;
	_ =	strace $0x80000047;
	s5 =	sor.u32 s6, s5  }
0x6: {  	s4 =	ssub.s32 $0x2, s4;
	s6 =	sshll.u32 s5, $0x8;
	s5 =	sshll.u32 s5, $0x4  }
0x7: {  	s7 =	sshrl.u32 s4, $0x1;
	s6 =	sadd.s32 s6, s3;
	s5 =	sadd.s32 s5, s3  }
0x8: {  	s7 =	ssub.s32 s4, s7;
	s3 =	sadd.s32 $0xC00, s6;
	s4 =	sadd.s32 $0x20C00, s5  }
0x9: {  	s5 =	smax.u32 s7, $0x1;
	s6 =	simm.s32 $0x1;
	s7 =	simm.s32 $0x8000  }
.LBB2_1:
0xa: {  	[tilespmem:s2], [sflag:$0x1] =	stream.linear.gather [hbm4b:s3+s2], $0x8000, $0x38;
	[tilespmem:$0x8800] =	vst v63  }
0xb: {  	_ =	swait.ge [sflag:s6], $0x8000  }
0xc: {  	s9 =	sand.u32 $0x70, s2;
	s10 =	sand.u32 $0x3C00, s2;
	[sflag:s6] =	ssyncset.done $0x0  }
0xd: {  	s9 =	sor.u32 s9, s10;
	[sflag:s6] =	ssyncadd.s32 $0xFFFF8000  }
0xe: {  	v0 =	vld [tilespmem:s9+$0x0];
	_ =	sdelay $0x1  }
0xf: {  	v1 =	vld [tilespmem:s9+$0x80]  }
0x10: {  	v2 =	vld [tilespmem:s9+$0x100]  }
0x11: {  	v3 =	vld [tilespmem:s9+$0x180]  }
0x12: {  	(xrf1) =	vsort.dscd.msk.f32 $0xffff, v0, v0  }
0x13: {  	s28 =	simm.s32 $0x10;
	s11 =	simm.s32 $0x80  }
0x14: {  	s10 =	sand.u32 $0x70, s28;
	s11 =	sand.u32 $0x3C00, s11;
	(xrf1) =	vsort.dscd.msk.f32 $0xffff, v1, v1  }
0x15: {  	s29 =	sor.u32 s10, s11;
	(xrf1) =	vsort.dscd.msk.f32 $0xffff, v2, v2  }
0x16: {  	v4 =	vld [tilespmem:s29+$0x0];
	(xrf1) =	vsort.dscd.msk.f32 $0xffff, v3, v3  }
0x17: {  	v0 =	vld [tilespmem:s29+$0x80];
	_ =	sdelay $0x3  }
0x18: {  	v1 =	vld [tilespmem:s29+$0x100];
	(xrf1) =	vsort.dscd.msk.f32 $0xffff, v4, v4  }
0x19: {  	(xrf1) =	vsort.dscd.msk.f32 $0xffff, v0, v0;
	v0 =	vld [tilespmem:s29+$0x180];
	_ =	sdelay $0x3  }
0x1a: {  	(xrf1) =	vsort.dscd.msk.f32 $0xffff, v1, v1;
	v1 =	vimm.f32 $+Inf;
	v2, _, _ =	vpop (xrf1)  }
0x1b: {  	(xrf1) =	vsort.dscd.msk.f32 $0xffff, v0, v0;
	v0 =	vmin.f32 v1, v2  }
0x1c: {  	v3, _, _ =	vpop (xrf1)  }
0x1d: {  	v4, _, _ =	vpop (xrf1);
	v3 =	vmin.f32 v1, v3;
	(xrf1) =	vsort.ascd.msk.f32 $0xffff, v0, v0  }
0x1e: {  	v4 =	vmin.f32 v1, v4;
	(xrf1) =	vsort.ascd.msk.f32 $0xffff, v3, v3;
	v0, _, _ =	vpop (xrf1)  }
0x1f: {  	(xrf1) =	vsort.ascd.msk.f32 $0xffff, v4, v4;
	v1 =	vmin.f32 v1, v0  }
0x20: {  	(xrf1) =	vsort.ascd.msk.f32 $0xffff, v1, v1  }
0x21: {  	s30 =	simm.s32 $0x20;
	s9 =	simm.s32 $0x100  }
0x22: {  	s10 =	sand.u32 $0x70, s30;
	s31 =	sand.u32 $0x3C00, s9  }
0x23: {  	s10 =	sor.u32 s10, s31  }
0x24: {  	v2 =	vld [tilespmem:s10+$0x0]  }
0x25: {  	v4 =	vld [tilespmem:s10+$0x80]  }
0x26: {  	v5 =	vld [tilespmem:s10+$0x100]  }
0x27: {  	v3 =	vld [tilespmem:s10+$0x180];
	v0, _, _ =	vpop (xrf1)  }
0x28: {  	v1, _, _ =	vpop (xrf1)  }
0x29: {  	s10 =	simm.s32 $0x30;
	(xrf1) =	vsort.dscd.msk.f32 $0xffff, v2, v2;
	v2, _, _ =	vpop (xrf1)  }
.LBB2_2:
0x2a: {  	p0 =	sne.s32 s10, $0x7F0;
	(xrf1) =	vsort.dscd.msk.f32 $0xffff, v4, v4;
	v4, _, _ =	vpop (xrf1)  }
0x2b: {  	(xrf1) =	vsort.dscd.msk.f32 $0xffff, v5, v5;
	v5, _, _ =	vpop (xrf1)  }
0x2c: {  	(xrf1) =	vsort.dscd.msk.f32 $0xffff, v3, v3;
	v5 =	vmin.f32 v5, v0;
	v3, _, _ =	vpop (xrf1)  }
0x2d: {  	v3 =	vmin.f32 v3, v1;
	(xrf1) =	vsort.ascd.msk.f32 $0xffff, v5, v5;
	v0, _, _ =	vpop (xrf1)  }
0x2e: {  	v0 =	vmin.f32 v0, v2;
	(xrf1) =	vsort.ascd.msk.f32 $0xffff, v3, v3;
	v1, _, _ =	vpop (xrf1)  }
0x2f: {  	v1 =	vmin.f32 v1, v4;
	(xrf1) =	vsort.ascd.msk.f32 $0xffff, v0, v0  }
0x30: {  	(xrf1) =	vsort.ascd.msk.f32 $0xffff, v1, v1  }
0x31: {  	s9 =	sadd.s32 $0x80, s9  }
0x32: {  	s11 =	sand.u32 $0x70, s10;
	s12 =	sand.u32 $0x3C00, s9  }
0x33: {  	s11 =	sor.u32 s11, s12  }
0x34: {  	v2 =	vld [tilespmem:s11+$0x0]  }
.Ltmp0:
0x35: {  	v4 =	vld [tilespmem:s11+$0x80];
	(pc) =	sbr.rel @p0 .LBB2_2-.Ltmp0, $4  }
0x36: {  	v5 =	vld [tilespmem:s11+$0x100]  }
0x37: {  	v3 =	vld [tilespmem:s11+$0x180];
	v0, _, _ =	vpop (xrf1)  }
0x38: {  	v1, _, _ =	vpop (xrf1)  }
0x39: {  	s10 =	sadd.s32 $0x10, s10;
	(xrf1) =	vsort.dscd.msk.f32 $0xffff, v2, v2;
	v2, _, _ =	vpop (xrf1)  }
0x3a: {  	(xrf1) =	vsort.dscd.msk.f32 $0xffff, v4, v4;
	v4, _, _ =	vpop (xrf1)  }
0x3b: {  	(xrf1) =	vsort.dscd.msk.f32 $0xffff, v5, v5;
	v5, _, _ =	vpop (xrf1)  }
0x3c: {  	v0 =	vmin.f32 v5, v0  }
0x3d: {  	(xrf1) =	vsort.dscd.msk.f32 $0xffff, v3, v3;
	v3, _, _ =	vpop (xrf1)  }
0x3e: {  	v1 =	vmin.f32 v3, v1;
	(xrf1) =	vsort.ascd.msk.f32 $0xffff, v0, v0  }
0x3f: {  	v0, _, _ =	vpop (xrf1);
	(xrf1) =	vsort.ascd.msk.f32 $0xffff, v1, v1;
	_ =	sdelay $0x1  }
0x40: {  	v0 =	vmin.f32 v0, v2;
	v1, _, _ =	vpop (xrf1)  }
0x41: {  	v1 =	vmin.f32 v1, v4;
	(xrf1) =	vsort.ascd.msk.f32 $0xffff, v0, v0  }
0x42: {  	(xrf1) =	vsort.ascd.msk.f32 $0xffff, v1, v1;
	_ =	sdelay $0x4  }
0x43: {  	v0, _, _ =	vpop (xrf1)  }
0x44: {  	v1, _, _ =	vpop (xrf1)  }
0x45: {  	v2, _, _ =	vpop (xrf1)  }
0x46: {  	v3, _, _ =	vpop (xrf1)  }
0x47: {  	v4, _, _ =	vpop (xrf1)  }
0x48: {  	v0 =	vmin.f32 v4, v0;
	v4, _, _ =	vpop (xrf1)  }
0x49: {  	v1 =	vmin.f32 v4, v1;
	_ =	sdelay $0x1  }
0x4a: {  	(xrf1) =	vsort.ascd.msk.f32 $0xffff, v0, v0;
	v0, _, _ =	vpop (xrf1)  }
0x4b: {  	(xrf1) =	vsort.ascd.msk.f32 $0xffff, v1, v1;
	v0 =	vmin.f32 v0, v2;
	v1, _, _ =	vpop (xrf1)  }
0x4c: {  	(xrf1) =	vsort.ascd.msk.f32 $0xffff, v0, v0;
	v1 =	vmin.f32 v1, v3  }
0x4d: {  	(xrf1) =	vsort.ascd.msk.f32 $0xffff, v1, v1;
	_ =	sdelay $0xa  }
0x4e: {  	v0, _, _ =	vpop (xrf1)  }
0x4f: {  	[tilespmem:$0x8000] =	vst v0;
	v1, _, _ =	vpop (xrf1)  }
0x50: {  	s9 =	simm.s32 $0x0;
	[tilespmem:$0x8080] =	vst v1;
	v0, _, _ =	vpop (xrf1)  }
0x51: {  	s10 =	sand.u32 $0x70, s9;
	s11 =	sand.u32 $0x3C00, s9;
	[tilespmem:$0x8100] =	vst v0;
	v1, _, _ =	vpop (xrf1)  }
0x52: {  	s9 =	sand.u32 $0x7, s9;
	s10 =	sor.u32 s10, s11;
	[tilespmem:$0x8180] =	vst v1  }
0x53: {  	s9 =	sshll.u32 s9, $0x4;
	v0 =	vld [tilespmem:s10+$0x200]  }
0x54: {  	s9 =	sadd.s32 $0x0, s9;
	v1 =	vld [tilespmem:s10+$0x280]  }
0x55: {  	s9 =	sor.u32 $0x380, s9;
	v2 =	vld [tilespmem:s10+$0x300]  }
0x56: {  	v3 =	vld [tilespmem:s9+$0x0];
	_ =	sdelay $0x1  }
0x57: {  	s21 =	simm.s32 $0x10;
	s22 =	simm.s32 $0x80;
	(xrf1) =	vsort.dscd.msk.f32 $0xffff, v0, v0  }
0x58: {  	s23 =	sand.u32 $0x70, s21;
	s24 =	sand.u32 $0x3C00, s22;
	(xrf1) =	vsort.dscd.msk.f32 $0xffff, v1, v1  }
0x59: {  	s9 =	sor.u32 s23, s24;
	(xrf1) =	vsort.dscd.msk.f32 $0xffff, v2, v2  }
0x5a: {  	v0 =	vld [tilespmem:s9+$0x200];
	(xrf1) =	vsort.dscd.msk.f32 $0xffff, v3, v3;
	_ =	sdelay $0x1  }
0x5b: {  	s25 =	simm.s32 $0x1  }
0x5c: {  	s10 =	sand.u32 $0x7, s25  }
0x5d: {  	s10 =	sshll.u32 s10, $0x4  }
0x5e: {  	s10 =	sadd.s32 $0x80, s10;
	(xrf1) =	vsort.dscd.msk.f32 $0xffff, v0, v0;
	v0 =	vld [tilespmem:s9+$0x280]  }
0x5f: {  	s26 =	sor.u32 $0x380, s10;
	v1 =	vld [tilespmem:s9+$0x300]  }
0x60: {  	v2 =	vld [tilespmem:s26+$0x0];
	_ =	sdelay $0x2  }
0x61: {  	(xrf1) =	vsort.dscd.msk.f32 $0xffff, v0, v0  }
0x62: {  	v3 =	vimm.f32 $+Inf;
	(xrf1) =	vsort.dscd.msk.f32 $0xffff, v1, v1;
	v0, _, _ =	vpop (xrf1)  }
0x63: {  	(xrf1) =	vsort.dscd.msk.f32 $0xffff, v2, v2;
	v1, _, _ =	vpop (xrf1);
	v0 =	vmin.f32 v3, v0  }
0x64: {  	v2, _, _ =	vpop (xrf1);
	v1 =	vmin.f32 v3, v1;
	(xrf1) =	vsort.ascd.msk.f32 $0xffff, v0, v0  }
0x65: {  	v4, _, _ =	vpop (xrf1);
	v2 =	vmin.f32 v3, v2;
	(xrf1) =	vsort.ascd.msk.f32 $0xffff, v1, v1  }
0x66: {  	v3 =	vmin.f32 v3, v4;
	(xrf1) =	vsort.ascd.msk.f32 $0xffff, v2, v2  }
0x67: {  	(xrf1) =	vsort.ascd.msk.f32 $0xffff, v3, v3  }
0x68: {  	s28 =	simm.s32 $0x20;
	s9 =	simm.s32 $0x100  }
0x69: {  	s29 =	sand.u32 $0x70, s28;
	s10 =	simm.s32 $0x2;
	s12 =	sand.u32 $0x3C00, s9  }
0x6a: {  	s13 =	sand.u32 $0x7, s10;
	s11 =	sor.u32 s29, s12  }
0x6b: {  	s30 =	sshll.u32 s13, $0x4;
	v0 =	vld [tilespmem:s11+$0x200]  }
0x6c: {  	s12 =	sadd.s32 $0x100, s30;
	v1 =	vld [tilespmem:s11+$0x280]  }
0x6d: {  	s31 =	sor.u32 $0x380, s12;
	v2 =	vld [tilespmem:s11+$0x300]  }
0x6e: {  	s11 =	simm.s32 $0x30;
	v3 =	vld [tilespmem:s31+$0x0];
	v4, _, _ =	vpop (xrf1)  }
.LBB2_4:
0x6f: {  	p0 =	sne.s32 s11, $0x7F0;
	v5, _, _ =	vpop (xrf1)  }
0x70: {  	(xrf1) =	vsort.dscd.msk.f32 $0xffff, v0, v0;
	v0, _, _ =	vpop (xrf1)  }
0x71: {  	(xrf1) =	vsort.dscd.msk.f32 $0xffff, v1, v1;
	v1, _, _ =	vpop (xrf1)  }
0x72: {  	(xrf1) =	vsort.dscd.msk.f32 $0xffff, v2, v2;
	v2, _, _ =	vpop (xrf1)  }
0x73: {  	(xrf1) =	vsort.dscd.msk.f32 $0xffff, v3, v3;
	v4 =	vmin.f32 v2, v4;
	v3, _, _ =	vpop (xrf1)  }
0x74: {  	v3 =	vmin.f32 v3, v5;
	(xrf1) =	vsort.ascd.msk.f32 $0xffff, v4, v4;
	v2, _, _ =	vpop (xrf1)  }
0x75: {  	v0 =	vmin.f32 v2, v0;
	(xrf1) =	vsort.ascd.msk.f32 $0xffff, v3, v3;
	v2, _, _ =	vpop (xrf1)  }
0x76: {  	v1 =	vmin.f32 v2, v1;
	(xrf1) =	vsort.ascd.msk.f32 $0xffff, v0, v0  }
0x77: {  	(xrf1) =	vsort.ascd.msk.f32 $0xffff, v1, v1  }
0x78: {  	s9 =	sadd.s32 $0x80, s9  }
0x79: {  	s12 =	sand.u32 $0x70, s11;
	s10 =	sadd.s32 $0x1, s10;
	s13 =	sand.u32 $0x3C00, s9  }
.Ltmp1:
0x7a: {  	s14 =	sand.u32 $0x7, s10;
	s12 =	sor.u32 s12, s13;
	(pc) =	sbr.rel @p0 .LBB2_4-.Ltmp1, $4  }
0x7b: {  	s13 =	sshll.u32 s14, $0x4;
	v0 =	vld [tilespmem:s12+$0x200]  }
0x7c: {  	s13 =	sadd.s32 s13, s9;
	v1 =	vld [tilespmem:s12+$0x280]  }
0x7d: {  	v2 =	vld [tilespmem:s12+$0x300];
	s12 =	sor.u32 $0x380, s13  }
0x7e: {  	s11 =	sadd.s32 $0x10, s11;
	v3 =	vld [tilespmem:s12+$0x0];
	v4, _, _ =	vpop (xrf1)  }
0x7f: {  	v5, _, _ =	vpop (xrf1)  }
0x80: {  	(xrf1) =	vsort.dscd.msk.f32 $0xffff, v0, v0;
	v0, _, _ =	vpop (xrf1)  }
0x81: {  	(xrf1) =	vsort.dscd.msk.f32 $0xffff, v1, v1;
	v1, _, _ =	vpop (xrf1)  }
0x82: {  	(xrf1) =	vsort.dscd.msk.f32 $0xffff, v2, v2;
	v2, _, _ =	vpop (xrf1)  }
0x83: {  	v2 =	vmin.f32 v2, v4  }
0x84: {  	(xrf1) =	vsort.dscd.msk.f32 $0xffff, v3, v3;
	v3, _, _ =	vpop (xrf1)  }
0x85: {  	v3 =	vmin.f32 v3, v5;
	(xrf1) =	vsort.ascd.msk.f32 $0xffff, v2, v2  }
0x86: {  	v2, _, _ =	vpop (xrf1);
	(xrf1) =	vsort.ascd.msk.f32 $0xffff, v3, v3;
	_ =	sdelay $0x1  }
0x87: {  	v0 =	vmin.f32 v2, v0;
	v2, _, _ =	vpop (xrf1)  }
0x88: {  	v1 =	vmin.f32 v2, v1;
	(xrf1) =	vsort.ascd.msk.f32 $0xffff, v0, v0  }
0x89: {  	(xrf1) =	vsort.ascd.msk.f32 $0xffff, v1, v1;
	_ =	sdelay $0x4  }
0x8a: {  	v0, _, _ =	vpop (xrf1)  }
0x8b: {  	v1, _, _ =	vpop (xrf1)  }
0x8c: {  	v2, _, _ =	vpop (xrf1)  }
0x8d: {  	v3, _, _ =	vpop (xrf1)  }
0x8e: {  	v4, _, _ =	vpop (xrf1)  }
0x8f: {  	v0 =	vmin.f32 v4, v0;
	v4, _, _ =	vpop (xrf1)  }
0x90: {  	v1 =	vmin.f32 v4, v1;
	_ =	sdelay $0x1  }
0x91: {  	(xrf1) =	vsort.ascd.msk.f32 $0xffff, v0, v0;
	v0, _, _ =	vpop (xrf1)  }
0x92: {  	(xrf1) =	vsort.ascd.msk.f32 $0xffff, v1, v1;
	v0 =	vmin.f32 v0, v2;
	v1, _, _ =	vpop (xrf1)  }
0x93: {  	(xrf1) =	vsort.ascd.msk.f32 $0xffff, v0, v0;
	v1 =	vmin.f32 v1, v3  }
0x94: {  	(xrf1) =	vsort.ascd.msk.f32 $0xffff, v1, v1;
	_ =	sdelay $0xa  }
0x95: {  	v0, _, _ =	vpop (xrf1)  }
0x96: {  	[tilespmem:$0x8200] =	vst v0;
	v1, _, _ =	vpop (xrf1)  }
0x97: {  	s9 =	simm.s32 $0x0;
	[tilespmem:$0x8280] =	vst v1;
	v0, _, _ =	vpop (xrf1)  }
0x98: {  	s10 =	sand.u32 $0x70, s9;
	s9 =	sand.u32 $0x3C00, s9;
	[tilespmem:$0x8300] =	vst v0;
	v1, _, _ =	vpop (xrf1)  }
0x99: {  	s9 =	sor.u32 s10, s9;
	[tilespmem:$0x8380] =	vst v1  }
0x9a: {  	v0 =	vld [tilespmem:s9+$0x4000];
	_ =	sdelay $0x1  }
0x9b: {  	v1 =	vld [tilespmem:s9+$0x4080]  }
0x9c: {  	v2 =	vld [tilespmem:s9+$0x4100]  }
0x9d: {  	v3 =	vld [tilespmem:s9+$0x4180]  }
0x9e: {  	(xrf1) =	vsort.dscd.msk.f32 $0xffff, v0, v0  }
0x9f: {  	s28 =	simm.s32 $0x10;
	s11 =	simm.s32 $0x80  }
0xa0: {  	s11 =	sand.u32 $0x3C00, s11;
	s10 =	sand.u32 $0x70, s28;
	(xrf1) =	vsort.dscd.msk.f32 $0xffff, v1, v1  }
0xa1: {  	s29 =	sor.u32 s10, s11;
	(xrf1) =	vsort.dscd.msk.f32 $0xffff, v2, v2  }
0xa2: {  	v4 =	vld [tilespmem:s29+$0x4000];
	(xrf1) =	vsort.dscd.msk.f32 $0xffff, v3, v3  }
0xa3: {  	v0 =	vld [tilespmem:s29+$0x4080];
	_ =	sdelay $0x3  }
0xa4: {  	v1 =	vld [tilespmem:s29+$0x4100];
	(xrf1) =	vsort.dscd.msk.f32 $0xffff, v4, v4  }
0xa5: {  	(xrf1) =	vsort.dscd.msk.f32 $0xffff, v0, v0;
	v0 =	vld [tilespmem:s29+$0x4180];
	_ =	sdelay $0x3  }
0xa6: {  	(xrf1) =	vsort.dscd.msk.f32 $0xffff, v1, v1;
	v1 =	vimm.f32 $+Inf;
	v2, _, _ =	vpop (xrf1)  }
0xa7: {  	(xrf1) =	vsort.dscd.msk.f32 $0xffff, v0, v0;
	v0 =	vmin.f32 v1, v2  }
0xa8: {  	v3, _, _ =	vpop (xrf1)  }
0xa9: {  	v4, _, _ =	vpop (xrf1);
	v3 =	vmin.f32 v1, v3;
	(xrf1) =	vsort.ascd.msk.f32 $0xffff, v0, v0  }
0xaa: {  	v4 =	vmin.f32 v1, v4;
	v0, _, _ =	vpop (xrf1);
	(xrf1) =	vsort.ascd.msk.f32 $0xffff, v3, v3  }
0xab: {  	v1 =	vmin.f32 v1, v0;
	(xrf1) =	vsort.ascd.msk.f32 $0xffff, v4, v4  }
0xac: {  	(xrf1) =	vsort.ascd.msk.f32 $0xffff, v1, v1  }
0xad: {  	s30 =	simm.s32 $0x20;
	s9 =	simm.s32 $0x100  }
0xae: {  	s10 =	sand.u32 $0x70, s30;
	s31 =	sand.u32 $0x3C00, s9  }
0xaf: {  	s10 =	sor.u32 s10, s31  }
0xb0: {  	v2 =	vld [tilespmem:s10+$0x4000]  }
0xb1: {  	v4 =	vld [tilespmem:s10+$0x4080]  }
0xb2: {  	v5 =	vld [tilespmem:s10+$0x4100]  }
0xb3: {  	v3 =	vld [tilespmem:s10+$0x4180];
	v0, _, _ =	vpop (xrf1)  }
0xb4: {  	v1, _, _ =	vpop (xrf1)  }
0xb5: {  	s10 =	simm.s32 $0x30;
	(xrf1) =	vsort.dscd.msk.f32 $0xffff, v2, v2;
	v2, _, _ =	vpop (xrf1)  }
.LBB2_6:
0xb6: {  	p0 =	sne.s32 s10, $0x7F0;
	(xrf1) =	vsort.dscd.msk.f32 $0xffff, v4, v4;
	v4, _, _ =	vpop (xrf1)  }
0xb7: {  	(xrf1) =	vsort.dscd.msk.f32 $0xffff, v5, v5;
	v5, _, _ =	vpop (xrf1)  }
0xb8: {  	(xrf1) =	vsort.dscd.msk.f32 $0xffff, v3, v3;
	v5 =	vmin.f32 v5, v0;
	v3, _, _ =	vpop (xrf1)  }
0xb9: {  	v3 =	vmin.f32 v3, v1;
	(xrf1) =	vsort.ascd.msk.f32 $0xffff, v5, v5;
	v0, _, _ =	vpop (xrf1)  }
0xba: {  	v0 =	vmin.f32 v0, v2;
	(xrf1) =	vsort.ascd.msk.f32 $0xffff, v3, v3;
	v1, _, _ =	vpop (xrf1)  }
0xbb: {  	v1 =	vmin.f32 v1, v4;
	(xrf1) =	vsort.ascd.msk.f32 $0xffff, v0, v0  }
0xbc: {  	(xrf1) =	vsort.ascd.msk.f32 $0xffff, v1, v1  }
0xbd: {  	s9 =	sadd.s32 $0x80, s9  }
0xbe: {  	s11 =	sand.u32 $0x70, s10;
	s12 =	sand.u32 $0x3C00, s9  }
0xbf: {  	s11 =	sor.u32 s11, s12  }
0xc0: {  	v2 =	vld [tilespmem:s11+$0x4000]  }
.Ltmp2:
0xc1: {  	v4 =	vld [tilespmem:s11+$0x4080];
	(pc) =	sbr.rel @p0 .LBB2_6-.Ltmp2, $4  }
0xc2: {  	v5 =	vld [tilespmem:s11+$0x4100]  }
0xc3: {  	v3 =	vld [tilespmem:s11+$0x4180];
	v0, _, _ =	vpop (xrf1)  }
0xc4: {  	v1, _, _ =	vpop (xrf1)  }
0xc5: {  	s10 =	sadd.s32 $0x10, s10;
	(xrf1) =	vsort.dscd.msk.f32 $0xffff, v2, v2;
	v2, _, _ =	vpop (xrf1)  }
0xc6: {  	(xrf1) =	vsort.dscd.msk.f32 $0xffff, v4, v4;
	v4, _, _ =	vpop (xrf1)  }
0xc7: {  	(xrf1) =	vsort.dscd.msk.f32 $0xffff, v5, v5;
	v5, _, _ =	vpop (xrf1)  }
0xc8: {  	v0 =	vmin.f32 v5, v0  }
0xc9: {  	(xrf1) =	vsort.dscd.msk.f32 $0xffff, v3, v3;
	v3, _, _ =	vpop (xrf1)  }
0xca: {  	v1 =	vmin.f32 v3, v1;
	(xrf1) =	vsort.ascd.msk.f32 $0xffff, v0, v0  }
0xcb: {  	v0, _, _ =	vpop (xrf1);
	(xrf1) =	vsort.ascd.msk.f32 $0xffff, v1, v1;
	_ =	sdelay $0x1  }
0xcc: {  	v0 =	vmin.f32 v0, v2;
	v1, _, _ =	vpop (xrf1)  }
0xcd: {  	v1 =	vmin.f32 v1, v4;
	(xrf1) =	vsort.ascd.msk.f32 $0xffff, v0, v0  }
0xce: {  	(xrf1) =	vsort.ascd.msk.f32 $0xffff, v1, v1;
	_ =	sdelay $0x4  }
0xcf: {  	v0, _, _ =	vpop (xrf1)  }
0xd0: {  	v1, _, _ =	vpop (xrf1)  }
0xd1: {  	v2, _, _ =	vpop (xrf1)  }
0xd2: {  	v3, _, _ =	vpop (xrf1)  }
0xd3: {  	v4, _, _ =	vpop (xrf1)  }
0xd4: {  	v0 =	vmin.f32 v4, v0;
	v4, _, _ =	vpop (xrf1)  }
0xd5: {  	v1 =	vmin.f32 v4, v1;
	_ =	sdelay $0x1  }
0xd6: {  	(xrf1) =	vsort.ascd.msk.f32 $0xffff, v0, v0;
	v0, _, _ =	vpop (xrf1)  }
0xd7: {  	(xrf1) =	vsort.ascd.msk.f32 $0xffff, v1, v1;
	v0 =	vmin.f32 v0, v2;
	v1, _, _ =	vpop (xrf1)  }
0xd8: {  	(xrf1) =	vsort.ascd.msk.f32 $0xffff, v0, v0;
	v1 =	vmin.f32 v1, v3  }
0xd9: {  	(xrf1) =	vsort.ascd.msk.f32 $0xffff, v1, v1;
	_ =	sdelay $0xa  }
0xda: {  	v0, _, _ =	vpop (xrf1)  }
0xdb: {  	[tilespmem:$0x8400] =	vst v0;
	v1, _, _ =	vpop (xrf1)  }
0xdc: {  	s9 =	simm.s32 $0x0;
	[tilespmem:$0x8480] =	vst v1;
	v0, _, _ =	vpop (xrf1)  }
0xdd: {  	s10 =	sand.u32 $0x70, s9;
	s9 =	sand.u32 $0x3C00, s9;
	[tilespmem:$0x8500] =	vst v0;
	v1, _, _ =	vpop (xrf1)  }
0xde: {  	s9 =	sor.u32 s10, s9;
	[tilespmem:$0x8580] =	vst v1  }
0xdf: {  	v0 =	vld [tilespmem:s9+$0x4200];
	_ =	sdelay $0x1  }
0xe0: {  	v1 =	vld [tilespmem:s9+$0x4280]  }
0xe1: {  	v2 =	vld [tilespmem:s9+$0x4300]  }
0xe2: {  	v3 =	vld [tilespmem:s9+$0x4380]  }
0xe3: {  	(xrf1) =	vsort.dscd.msk.f32 $0xffff, v0, v0  }
0xe4: {  	s28 =	simm.s32 $0x10;
	s11 =	simm.s32 $0x80  }
0xe5: {  	s11 =	sand.u32 $0x3C00, s11;
	s10 =	sand.u32 $0x70, s28;
	(xrf1) =	vsort.dscd.msk.f32 $0xffff, v1, v1  }
0xe6: {  	s29 =	sor.u32 s10, s11;
	(xrf1) =	vsort.dscd.msk.f32 $0xffff, v2, v2  }
0xe7: {  	v4 =	vld [tilespmem:s29+$0x4200];
	(xrf1) =	vsort.dscd.msk.f32 $0xffff, v3, v3  }
0xe8: {  	v0 =	vld [tilespmem:s29+$0x4280];
	_ =	sdelay $0x3  }
0xe9: {  	v1 =	vld [tilespmem:s29+$0x4300];
	(xrf1) =	vsort.dscd.msk.f32 $0xffff, v4, v4  }
0xea: {  	(xrf1) =	vsort.dscd.msk.f32 $0xffff, v0, v0;
	v0 =	vld [tilespmem:s29+$0x4380];
	_ =	sdelay $0x3  }
0xeb: {  	(xrf1) =	vsort.dscd.msk.f32 $0xffff, v1, v1;
	v1 =	vimm.f32 $+Inf;
	v2, _, _ =	vpop (xrf1)  }
0xec: {  	(xrf1) =	vsort.dscd.msk.f32 $0xffff, v0, v0;
	v0 =	vmin.f32 v1, v2  }
0xed: {  	v3, _, _ =	vpop (xrf1)  }
0xee: {  	v4, _, _ =	vpop (xrf1);
	v3 =	vmin.f32 v1, v3;
	(xrf1) =	vsort.ascd.msk.f32 $0xffff, v0, v0  }
0xef: {  	v4 =	vmin.f32 v1, v4;
	v0, _, _ =	vpop (xrf1);
	(xrf1) =	vsort.ascd.msk.f32 $0xffff, v3, v3  }
0xf0: {  	v1 =	vmin.f32 v1, v0;
	(xrf1) =	vsort.ascd.msk.f32 $0xffff, v4, v4  }
0xf1: {  	(xrf1) =	vsort.ascd.msk.f32 $0xffff, v1, v1  }
0xf2: {  	s30 =	simm.s32 $0x20;
	s9 =	simm.s32 $0x100  }
0xf3: {  	s10 =	sand.u32 $0x70, s30;
	s31 =	sand.u32 $0x3C00, s9  }
0xf4: {  	s10 =	sor.u32 s10, s31  }
0xf5: {  	v2 =	vld [tilespmem:s10+$0x4200]  }
0xf6: {  	v4 =	vld [tilespmem:s10+$0x4280]  }
0xf7: {  	v5 =	vld [tilespmem:s10+$0x4300]  }
0xf8: {  	v3 =	vld [tilespmem:s10+$0x4380];
	v0, _, _ =	vpop (xrf1)  }
0xf9: {  	v1, _, _ =	vpop (xrf1)  }
0xfa: {  	s10 =	simm.s32 $0x30;
	(xrf1) =	vsort.dscd.msk.f32 $0xffff, v2, v2;
	v2, _, _ =	vpop (xrf1)  }
.LBB2_8:
0xfb: {  	p0 =	sne.s32 s10, $0x7F0;
	(xrf1) =	vsort.dscd.msk.f32 $0xffff, v4, v4;
	v4, _, _ =	vpop (xrf1)  }
0xfc: {  	(xrf1) =	vsort.dscd.msk.f32 $0xffff, v5, v5;
	v5, _, _ =	vpop (xrf1)  }
0xfd: {  	(xrf1) =	vsort.dscd.msk.f32 $0xffff, v3, v3;
	v5 =	vmin.f32 v5, v0;
	v3, _, _ =	vpop (xrf1)  }
0xfe: {  	v3 =	vmin.f32 v3, v1;
	(xrf1) =	vsort.ascd.msk.f32 $0xffff, v5, v5;
	v0, _, _ =	vpop (xrf1)  }
0xff: {  	v0 =	vmin.f32 v0, v2;
	(xrf1) =	vsort.ascd.msk.f32 $0xffff, v3, v3;
	v1, _, _ =	vpop (xrf1)  }
0x100: {  	v1 =	vmin.f32 v1, v4;
	(xrf1) =	vsort.ascd.msk.f32 $0xffff, v0, v0  }
0x101: {  	(xrf1) =	vsort.ascd.msk.f32 $0xffff, v1, v1  }
0x102: {  	s9 =	sadd.s32 $0x80, s9  }
0x103: {  	s11 =	sand.u32 $0x70, s10;
	s12 =	sand.u32 $0x3C00, s9  }
0x104: {  	s11 =	sor.u32 s11, s12  }
0x105: {  	v2 =	vld [tilespmem:s11+$0x4200]  }
.Ltmp3:
0x106: {  	v4 =	vld [tilespmem:s11+$0x4280];
	(pc) =	sbr.rel @p0 .LBB2_8-.Ltmp3, $4  }
0x107: {  	v5 =	vld [tilespmem:s11+$0x4300]  }
0x108: {  	v3 =	vld [tilespmem:s11+$0x4380];
	v0, _, _ =	vpop (xrf1)  }
0x109: {  	v1, _, _ =	vpop (xrf1)  }
0x10a: {  	s10 =	sadd.s32 $0x10, s10;
	(xrf1) =	vsort.dscd.msk.f32 $0xffff, v2, v2;
	v2, _, _ =	vpop (xrf1)  }
0x10b: {  	(xrf1) =	vsort.dscd.msk.f32 $0xffff, v4, v4;
	v47, _, _ =	vpop (xrf1)  }
0x10c: {  	(xrf1) =	vsort.dscd.msk.f32 $0xffff, v5, v5;
	v48, _, _ =	vpop (xrf1)  }
0x10d: {  	(xrf1) =	vsort.dscd.msk.f32 $0xffff, v3, v3;
	v0 =	vmin.f32 v48, v0;
	v49, _, _ =	vpop (xrf1)  }
0x10e: {  	v1 =	vmin.f32 v49, v1;
	(xrf1) =	vsort.ascd.msk.f32 $0xffff, v0, v0;
	v50, _, _ =	vpop (xrf1)  }
0x10f: {  	v0 =	vmin.f32 v50, v2;
	(xrf1) =	vsort.ascd.msk.f32 $0xffff, v1, v1;
	v51, _, _ =	vpop (xrf1)  }
0x110: {  	v1 =	vmin.f32 v51, v47;
	(xrf1) =	vsort.ascd.msk.f32 $0xffff, v0, v0  }
0x111: {  	(xrf1) =	vsort.ascd.msk.f32 $0xffff, v1, v1;
	_ =	sdelay $0x6  }
0x112: {  	v52, _, _ =	vpop (xrf1)  }
0x113: {  	v53, _, _ =	vpop (xrf1)  }
0x114: {  	v54, _, _ =	vpop (xrf1)  }
0x115: {  	v55, _, _ =	vpop (xrf1)  }
0x116: {  	v56, _, _ =	vpop (xrf1)  }
0x117: {  	v0 =	vmin.f32 v56, v52;
	v57, _, _ =	vpop (xrf1)  }
0x118: {  	v1 =	vmin.f32 v57, v53;
	(xrf1) =	vsort.ascd.msk.f32 $0xffff, v0, v0;
	v58, _, _ =	vpop (xrf1)  }
0x119: {  	v0 =	vmin.f32 v58, v54;
	(xrf1) =	vsort.ascd.msk.f32 $0xffff, v1, v1;
	v59, _, _ =	vpop (xrf1)  }
0x11a: {  	v1 =	vmin.f32 v59, v55;
	(xrf1) =	vsort.ascd.msk.f32 $0xffff, v0, v0  }
0x11b: {  	(xrf1) =	vsort.ascd.msk.f32 $0xffff, v1, v1;
	_ =	sdelay $0xa  }
0x11c: {  	v60, _, _ =	vpop (xrf1)  }
0x11d: {  	v61, _, _ =	vpop (xrf1);
	[tilespmem:$0x8600] =	vst v60  }
0x11e: {  	s8 =	sadd.s32 $0x1, s8;
	v62, _, _ =	vpop (xrf1);
	[tilespmem:$0x8680] =	vst v61  }
0x11f: {  	p0 =	sne.s32 s8, s5;
	v63, _, _ =	vpop (xrf1);
	[tilespmem:$0x8700] =	vst v62  }
.Ltmp4:
0x120: {  	[tilespmem:$0x8780] =	vst v63;
	(pc) =	sbr.rel @p0 .LBB2_1-.Ltmp4, $4  }
0x121: {  	[hbm4b:s4+s2] =	stream.linear.scatter [tilespmem:s7], [sflag:$0x1], $0x800, $0x38;
	[tilespmem:$0x8800] =	vst v63  }
0x122: {  	_ =	swait.ge [sflag:s6], $0x800  }
0x123: {  	[sflag:s6] =	ssyncset.done $0x0  }
0x124: {  	[sflag:s6] =	ssyncadd.s32 $0xFFFFF800  }
0x125: {  	_ =	sfence.sel $0x180000  }
0x126: {  	[bflag:$0x0] =	sbarrier.arrive $0xFFFF  }
0x127: {  	p0 =	sne.s32 s1, $0x0;
	_ =	strace $0x90000047  }
0x128: {  	s0 =	sadd.s32 @!p0 $0x100000, s0;
	[bflag:$0x2] =	sbarrier.arrive $0xFFFF  }
0x129: {  	[sflag:s0] =	ssyncadd.tile.s32 @!p0 $0x1;
	_ =	shalt  }
.Lfunc_end2:
_tile_overlayer_lowered:
.L_overlay_start_2:
0x12a: {  	(tag) =	ssettag $0x2  }
0x12b: {  	s0 =	rddreg [dreg:$0x0];
	s2 =	stileid.u32  }
0x12c: {  	s1 =	rddreg [dreg:$0x1];
	p0 =	sne.s32 s2, $0x0  }
0x12d: {  	s3 =	rddreg [dreg:$0x2];
	[bflag:$0x3] =	sbarrier.arrive $0xFFFF;
	s2 =	simm.s32 @!p0 $0x1C01  }
0x12e: {  	[timem:s3], [sflag:s2] =	dma.local @!p0 [hbm:s0], s1  }
0x12f: {  	s0 =	simm.s32 @!p0 $0x1  }
0x130: {  	_ =	swait.ge @!p0 [sflag:s0], s1  }
0x131: {  	s1 =	ssub.s32 @!p0 $0x0, s1;
	[sflag:s0] =	ssyncset.done @!p0 $0x0  }
0x132: {  	[sflag:s0] =	ssyncadd.s32 @!p0 s1  }
0x133: {  	[bflag:$0x3] =	sbarrier.arrive $0xFFFF  }
0x134: {  	_ =	shalt  }

</sc_bundles>
